<compile_context>
chip_gen: v7x
topology: tpu7x:2x2x1
jax: 0.10.2.dev20260603
libtpu: 0.0.44.dev20260713+nightly
codegen_flags: <defaults>
</compile_context>

<pallas_src>
import dataclasses
import functools

import jax
import jax.numpy as jnp
import numpy as np
from jax import lax
from jax.experimental import pallas as pl
from jax.experimental.pallas import tpu as pltpu
from jax.experimental.pallas import tpu_sc as plsc

_N = 8388608
_NB = 1000
_M = 8192
_STEP = float(np.float32(1.0) / np.float32(1000.0))
_ROWS = 1024
_COLS = 8192
_CPAD = 1008
_SENTINEL = 2.0e9


def _sc_body(c_hbm, p_hbm, l_hbm, probs_hbm, t_hbm, c_v, p_v, sA, sB, sC, sD):
    pltpu.sync_copy(c_hbm, c_v)
    pltpu.sync_copy(p_hbm, p_v)

    @pl.loop(0, _M, step=16)
    def _zero(i):
        sA[pl.ds(i, 16)] = jnp.zeros((16,), jnp.int32)

    @pl.loop(0, _CPAD, step=16)
    def _hist(i):
        cv = c_v[pl.ds(i, 16)]
        x = jnp.minimum(cv * jnp.float32(_M), jnp.float32(2 * _M))
        xi = x.astype(jnp.int32)
        h = xi + (xi.astype(jnp.float32) != x).astype(jnp.int32)
        mask = h <= _M - 1
        plsc.addupdate_scatter(sA, [jnp.minimum(h, _M - 1)],
                               jnp.ones((16,), jnp.int32), mask=mask)

    def _scan_step(i, carry):
        hv = sA[pl.ds(i * 16, 16)]
        sv = jnp.cumsum(hv) + carry - 1
        sA[pl.ds(i * 16, 16)] = sv
        sC[pl.ds(i * 16, 16)] = plsc.load_gather(c_v, [sv])
        sB[pl.ds(i * 16, 16)] = plsc.load_gather(c_v, [sv + 1])
        sD[pl.ds(i * 16, 16)] = plsc.load_gather(c_v, [sv + 2])
        return carry + jnp.sum(hv)

    lax.fori_loop(0, _M // 16, _scan_step, jnp.int32(0))

    def compute(l_v, pr_v, t_v):
        @plsc.parallel_loop(0, _COLS, 16, unroll=4)
        def _elem(i):
            u = l_v[pl.ds(i, 16)]
            k = (u * jnp.float32(_M)).astype(jnp.int32)
            j0 = plsc.load_gather(sA, [k])
            cn = plsc.load_gather(sB, [k])
            c0 = plsc.load_gather(sC, [k])
            c2 = plsc.load_gather(sD, [k])
            up = u >= cn
            j = j0 + up.astype(jnp.int32)
            cl = jnp.where(up, cn, c0)
            cr = jnp.where(up, c2, cn)
            jf = j.astype(jnp.float32)
            bej = jf * jnp.float32(_STEP)
            bej1 = (jf + jnp.float32(1.0)) * jnp.float32(_STEP)
            t = bej + ((u - cl) / (cr - cl)) * (bej1 - bej)
            j2 = (t / jnp.float32(_STEP)).astype(jnp.int32)
            j2 = jnp.minimum(j2, _NB - 1)
            pr = plsc.load_gather(p_v, [j2])
            pr_v[pl.ds(i, 16)] = pr / jnp.float32(_STEP)
            t_v[pl.ds(i, 16)] = t

    blk = lambda: pl.BlockSpec((_COLS,), lambda g: (g,))
    pltpu.emit_pipeline(
        compute,
        grid=(_ROWS,),
        in_specs=[blk()],
        out_specs=[blk(), blk()],
        core_axis_name=("c", "s"),
        dimension_semantics=(pltpu.PARALLEL,),
    )(l_hbm, probs_hbm, t_hbm)


@jax.jit
def kernel(l, p):
    total = jnp.sum(p)
    c = jnp.cumsum(p) / total
    c_full = jnp.concatenate([
        jnp.zeros((1,), jnp.float32), c,
        jnp.full((_CPAD - _NB - 1,), _SENTINEL, jnp.float32),
    ])
    p_over = jnp.concatenate([p / total, jnp.zeros((_CPAD - _NB,), jnp.float32)])

    mesh = plsc.VectorSubcoreMesh(core_axis_name="c", subcore_axis_name="s")
    out = jax.ShapeDtypeStruct((_N,), jnp.float32)
    cp = pltpu.CompilerParams()
    if "needs_layout_passes" in pltpu.CompilerParams.__dataclass_fields__:
        cp = dataclasses.replace(cp, needs_layout_passes=False)
    run = pl.kernel(
        _sc_body,
        out_type=(out, out),
        mesh=mesh,
        compiler_params=cp,
        scratch_types=[
            pltpu.VMEM((_CPAD,), jnp.float32),
            pltpu.VMEM((_CPAD,), jnp.float32),
            pltpu.VMEM((_M,), jnp.int32),
            pltpu.VMEM((_M,), jnp.float32),
            pltpu.VMEM((_M,), jnp.float32),
            pltpu.VMEM((_M,), jnp.float32),
        ],
    )
    probs2, t2 = run(c_full, p_over, l)
    return probs2, t2

# --- scband reference (transcript-rebuilt; emitter-appended) ---
"""Pipeline reference for scband-importance-sampler-48473000903573 (READ-ONLY COPY).

The authoritative reference and input builder live on the scoring server;
editing this copy changes nothing except your own understanding.
"""

import jax, jax.numpy as jnp
import numpy as np

L_MIN = 0.0
L_MAX = 1.0
N_BINS = 1000
BIN_WIDTH = (L_MAX - L_MIN) / N_BINS
N = 8388608


def setup_inputs(seed: int = 0) -> dict:
    key = jax.random.key(seed)
    k1, k2 = jax.random.split(key)
    l = jax.random.uniform(k1, (N,), dtype=jnp.float32, minval=L_MIN, maxval=L_MAX)
    # learned/adapted histogram mass per bin (strictly positive)
    p = jax.random.uniform(k2, (N_BINS,), dtype=jnp.float32, minval=0.5, maxval=1.5)
    return {"l": l, "p": p}


def reference(l, p):
    # ImportanceSampler.prob_and_transform
    bin_edges = jnp.linspace(L_MIN, L_MAX, N_BINS + 1)
    total_mass = jnp.sum(p)
    cumsums = jnp.cumsum(p) / total_mass
    cumsums = jnp.concatenate([jnp.zeros((1,), dtype=cumsums.dtype), cumsums])
    normalized_l = (l - L_MIN) / (L_MAX - L_MIN)
    transformed = jnp.interp(normalized_l, cumsums, bin_edges)
    bin_indices = jnp.floor((transformed - L_MIN) / BIN_WIDTH).astype(jnp.int32)
    bin_indices = jnp.clip(bin_indices, 0, N_BINS - 1)  # matches jax clamp-gather semantics of p[idx]
    probs = p[bin_indices] / total_mass / BIN_WIDTH
    return (probs, transformed)

if __name__ == "__main__":
    import jax
    _d = setup_inputs()
    print(jax.jit(kernel)(*tuple(_d.values())))

</pallas_src>

<mosaic_0001>
#map = affine_map<(d0, d1) -> (0)>
module attributes {stable_mosaic.version = 14 : i64} {
  func.func @_sc_body(%arg0: i32, %arg1: i32, %arg2: memref<1008xf32, #tpu.memory_space<hbm>>, %arg3: memref<1008xf32, #tpu.memory_space<hbm>>, %arg4: memref<8388608xf32, #tpu.memory_space<hbm>>, %arg5: memref<8388608xf32, #tpu.memory_space<hbm>>, %arg6: memref<8388608xf32, #tpu.memory_space<hbm>>, %arg7: memref<1008xf32, #tpu.memory_space<vmem>>, %arg8: memref<1008xf32, #tpu.memory_space<vmem>>, %arg9: memref<8192xi32, #tpu.memory_space<vmem>>, %arg10: memref<8192xf32, #tpu.memory_space<vmem>>, %arg11: memref<8192xf32, #tpu.memory_space<vmem>>, %arg12: memref<8192xf32, #tpu.memory_space<vmem>>) attributes {dimension_semantics = [#tpu.dimension_semantics<core_parallel>, #tpu.dimension_semantics<subcore_parallel>], iteration_bounds = array<i64: 2, 16>, scalar_prefetch = 0 : i64, scratch_operands = 6 : i64, tpu.core_type = #tpu.core_type<sc_vector_subcore>, window_params = [{transform_indices = #map}, {transform_indices = #map}, {transform_indices = #map}, {transform_indices = #map}, {transform_indices = #map}]} {
    "tpu.region"() ({
      %run_scoped3A = tpu.sem_alloc : memref<!tpu.dma_semaphore, #tpu.memory_space<semaphore_mem>>
      tpu.enqueue_dma source(%arg2 : memref<1008xf32, #tpu.memory_space<hbm>>) target(%arg7 : memref<1008xf32, #tpu.memory_space<vmem>>) target_semaphore(%run_scoped3A : memref<!tpu.dma_semaphore, #tpu.memory_space<semaphore_mem>>)
      tpu.wait_dma2 semaphore(%run_scoped3A : memref<!tpu.dma_semaphore, #tpu.memory_space<semaphore_mem>>) src(%arg2 : memref<1008xf32, #tpu.memory_space<hbm>>) dst(%arg7 : memref<1008xf32, #tpu.memory_space<vmem>>)
      tpu.yield
    }) : () -> ()
    "tpu.region"() ({
      %run_scoped3A = tpu.sem_alloc : memref<!tpu.dma_semaphore, #tpu.memory_space<semaphore_mem>>
      tpu.enqueue_dma source(%arg3 : memref<1008xf32, #tpu.memory_space<hbm>>) target(%arg8 : memref<1008xf32, #tpu.memory_space<vmem>>) target_semaphore(%run_scoped3A : memref<!tpu.dma_semaphore, #tpu.memory_space<semaphore_mem>>)
      tpu.wait_dma2 semaphore(%run_scoped3A : memref<!tpu.dma_semaphore, #tpu.memory_space<semaphore_mem>>) src(%arg3 : memref<1008xf32, #tpu.memory_space<hbm>>) dst(%arg8 : memref<1008xf32, #tpu.memory_space<vmem>>)
      tpu.yield
    }) : () -> ()
    %scan3A = arith.constant 0 : i32
    %scan3A_0 = arith.constant 512 : i32
    %scan3A_1 = arith.addi %scan3A, %scan3A_0 : i32
    %scan3A_2 = arith.constant 1 : i32
    scf.for %scan3A_23 = %scan3A to %scan3A_1 step %scan3A_2  : i32 {
      %mul3A_24 = arith.constant 16 : i32
      %mul3A_25 = arith.muli %scan3A_23, %mul3A_24 : i32
      %add3A_26 = arith.constant 0 : i32
      %add3A_27 = arith.addi %add3A_26, %mul3A_25 : i32
      %broadcast_in_dim3A = arith.constant 0 : i32
      %broadcast_in_dim3A_28 = vector.broadcast %broadcast_in_dim3A : i32 to vector<16xi32>
      %swap3A = arith.index_cast %add3A_27 : i32 to index
      %swap3A_29 = tpu.vector_load %arg9[%swap3A] {strides = array<i32>} : memref<8192xi32, #tpu.memory_space<vmem>>, vector<16xi32>,
      tpu.vector_store %arg9[%swap3A], %broadcast_in_dim3A_28 {strides = array<i32>} : memref<8192xi32, #tpu.memory_space<vmem>>, vector<16xi32>,
    }
    %scan3A_3 = arith.constant 512 : i32
    %scan3A_4 = arith.constant 0 : i32
    %scan3A_5 = arith.constant 63 : i32
    %scan3A_6 = arith.addi %scan3A_4, %scan3A_5 : i32
    %scan3A_7 = arith.constant 1 : i32
    scf.for %scan3A_23 = %scan3A_4 to %scan3A_6 step %scan3A_7  : i32 {
      %mul3A_24 = arith.constant 16 : i32
      %mul3A_25 = arith.muli %scan3A_23, %mul3A_24 : i32
      %add3A_26 = arith.constant 0 : i32
      %add3A_27 = arith.addi %add3A_26, %mul3A_25 : i32
      %get3A = arith.index_cast %add3A_27 : i32 to index
      %get3A_28 = tpu.vector_load %arg7[%get3A] {strides = array<i32>} : memref<1008xf32, #tpu.memory_space<vmem>>, vector<16xf32>,
      %mul3A_29 = arith.constant 8.192000e+03 : f32
      %mul3A_30 = vector.broadcast %mul3A_29 : f32 to vector<16xf32>
      %mul3A_31 = arith.mulf %get3A_28, %mul3A_30 : vector<16xf32>
      %min3A = arith.constant 1.638400e+04 : f32
      %min3A_32 = vector.broadcast %min3A : f32 to vector<16xf32>
      %min3A_33 = arith.minimumf %mul3A_31, %min3A_32 : vector<16xf32>
      %convert_element_type3A = arith.fptosi %min3A_33 : vector<16xf32> to vector<16xi32>
      %convert_element_type3A_34 = arith.sitofp %convert_element_type3A : vector<16xi32> to vector<16xf32>
      %ne3A = arith.cmpf one, %convert_element_type3A_34, %min3A_33 : vector<16xf32>
      %convert_element_type3A_35 = arith.extui %ne3A : vector<16xi1> to vector<16xi32>
      %add3A_36 = arith.addi %convert_element_type3A, %convert_element_type3A_35 : vector<16xi32>
      %le3A = arith.constant 8191 : i32
      %le3A_37 = vector.broadcast %le3A : i32 to vector<16xi32>
      %le3A_38 = arith.cmpi sle, %add3A_36, %le3A_37 : vector<16xi32>
      %min3A_39 = arith.constant 8191 : i32
      %min3A_40 = vector.broadcast %min3A_39 : i32 to vector<16xi32>
      %min3A_41 = arith.minsi %add3A_36, %min3A_40 : vector<16xi32>
      %broadcast_in_dim3A = arith.constant 1 : i32
      %broadcast_in_dim3A_42 = vector.broadcast %broadcast_in_dim3A : i32 to vector<16xi32>
      tpu.vector_store_idx %arg9[%min3A_41], %broadcast_in_dim3A_42 masked %le3A_38 {add = true} : memref<8192xi32, #tpu.memory_space<vmem>>[vector<16xi32>], vector<16xi32>, vector<16xi1>
    }
    %scan3A_8 = arith.constant 63 : i32
    %scan3A_9 = arith.constant 0 : i32
    %scan3A_10 = arith.constant 0 : i32
    %scan3A_11 = arith.constant 512 : i32
    %scan3A_12 = arith.addi %scan3A_10, %scan3A_11 : i32
    %scan3A_13 = arith.constant 1 : i32
    %scan3A_14 = scf.for %scan3A_23 = %scan3A_10 to %scan3A_12 step %scan3A_13 iter_args(%scan3A_24 = %scan3A_9) -> (i32)  : i32 {
      %mul3A_25 = arith.constant 16 : i32
      %mul3A_26 = arith.muli %scan3A_23, %mul3A_25 : i32
      %get3A = arith.index_cast %mul3A_26 : i32 to index
      %get3A_27 = tpu.vector_load %arg9[%get3A] {strides = array<i32>} : memref<8192xi32, #tpu.memory_space<vmem>>, vector<16xi32>,
      %cumsum3A = arith.constant true
      %cumsum3A_28 = vector.broadcast %cumsum3A : i1 to vector<16xi1>
      %cumsum3A_29 = tpu.scan <sum>, %get3A_27 masked %cumsum3A_28 : vector<16xi32>, vector<16xi1> -> vector<16xi32>
      %add3A_30 = vector.broadcast %scan3A_24 : i32 to vector<16xi32>
      %add3A_31 = arith.addi %cumsum3A_29, %add3A_30 : vector<16xi32>
      %sub3A = arith.constant 1 : i32
      %sub3A_32 = vector.broadcast %sub3A : i32 to vector<16xi32>
      %sub3A_33 = arith.subi %add3A_31, %sub3A_32 : vector<16xi32>
      %mul3A_34 = arith.constant 16 : i32
      %mul3A_35 = arith.muli %scan3A_23, %mul3A_34 : i32
      %swap3A = arith.index_cast %mul3A_35 : i32 to index
      %swap3A_36 = tpu.vector_load %arg9[%swap3A] {strides = array<i32>} : memref<8192xi32, #tpu.memory_space<vmem>>, vector<16xi32>,
      tpu.vector_store %arg9[%swap3A], %sub3A_33 {strides = array<i32>} : memref<8192xi32, #tpu.memory_space<vmem>>, vector<16xi32>,
      %gather3A = tpu.vector_load_idx %arg7[%sub3A_33] : memref<1008xf32, #tpu.memory_space<vmem>>[vector<16xi32>], vector<16xf32>,
      %mul3A_37 = arith.constant 16 : i32
      %mul3A_38 = arith.muli %scan3A_23, %mul3A_37 : i32
      %swap3A_39 = arith.index_cast %mul3A_38 : i32 to index
      %swap3A_40 = tpu.vector_load %arg11[%swap3A_39] {strides = array<i32>} : memref<8192xf32, #tpu.memory_space<vmem>>, vector<16xf32>,
      tpu.vector_store %arg11[%swap3A_39], %gather3A {strides = array<i32>} : memref<8192xf32, #tpu.memory_space<vmem>>, vector<16xf32>,
      %add3A_41 = arith.constant 1 : i32
      %add3A_42 = vector.broadcast %add3A_41 : i32 to vector<16xi32>
      %add3A_43 = arith.addi %sub3A_33, %add3A_42 : vector<16xi32>
      %gather3A_44 = tpu.vector_load_idx %arg7[%add3A_43] : memref<1008xf32, #tpu.memory_space<vmem>>[vector<16xi32>], vector<16xf32>,
      %mul3A_45 = arith.constant 16 : i32
      %mul3A_46 = arith.muli %scan3A_23, %mul3A_45 : i32
      %swap3A_47 = arith.index_cast %mul3A_46 : i32 to index
      %swap3A_48 = tpu.vector_load %arg10[%swap3A_47] {strides = array<i32>} : memref<8192xf32, #tpu.memory_space<vmem>>, vector<16xf32>,
      tpu.vector_store %arg10[%swap3A_47], %gather3A_44 {strides = array<i32>} : memref<8192xf32, #tpu.memory_space<vmem>>, vector<16xf32>,
      %add3A_49 = arith.constant 2 : i32
      %add3A_50 = vector.broadcast %add3A_49 : i32 to vector<16xi32>
      %add3A_51 = arith.addi %sub3A_33, %add3A_50 : vector<16xi32>
      %gather3A_52 = tpu.vector_load_idx %arg7[%add3A_51] : memref<1008xf32, #tpu.memory_space<vmem>>[vector<16xi32>], vector<16xf32>,
      %mul3A_53 = arith.constant 16 : i32
      %mul3A_54 = arith.muli %scan3A_23, %mul3A_53 : i32
      %swap3A_55 = arith.index_cast %mul3A_54 : i32 to index
      %swap3A_56 = tpu.vector_load %arg12[%swap3A_55] {strides = array<i32>} : memref<8192xf32, #tpu.memory_space<vmem>>, vector<16xf32>,
      tpu.vector_store %arg12[%swap3A_55], %gather3A_52 {strides = array<i32>} : memref<8192xf32, #tpu.memory_space<vmem>>, vector<16xf32>,
      %reduce_sum3A = arith.constant true
      %reduce_sum3A_57 = vector.broadcast %reduce_sum3A : i1 to vector<16xi1>
      %reduce_sum3A_58 = tpu.scan <sum>, %get3A_27 masked %reduce_sum3A_57 : vector<16xi32>, vector<16xi1> -> vector<16xi32>
      %reduce_sum3A_59 = vector.extract %reduce_sum3A_58[15] : i32 from vector<16xi32>
      %add3A_60 = arith.addi %scan3A_24, %reduce_sum3A_59 : i32
      scf.yield %add3A_60 : i32
    }
    %scan3A_15 = arith.constant 512 : i32
    %mul3A = arith.constant 1 : i32
    %mul3A_16 = arith.muli %arg1, %mul3A : i32
    %add3A = arith.constant 0 : i32
    %add3A_17 = arith.addi %add3A, %mul3A_16 : i32
    %mul3A_18 = arith.constant 16 : i32
    %mul3A_19 = arith.muli %arg0, %mul3A_18 : i32
    %add3A_20 = arith.addi %add3A_17, %mul3A_19 : i32
    %mul3A_21 = arith.constant 32 : i32
    %mul3A_22 = arith.muli %add3A_20, %mul3A_21 : i32
    "tpu.region"() ({
      %run_scoped3A = memref.alloca() : memref<16384xf32, #tpu.memory_space<vmem>>
      %run_scoped3A_23 = tpu.sem_alloc : memref<2x!tpu.dma_semaphore, #tpu.memory_space<semaphore_mem>>
      %run_scoped3A_24 = memref.alloca() : memref<16384xf32, #tpu.memory_space<vmem>>
      %run_scoped3A_25 = tpu.sem_alloc : memref<2x!tpu.dma_semaphore, #tpu.memory_space<semaphore_mem>>
      %run_scoped3A_26 = memref.alloca() : memref<16384xf32, #tpu.memory_space<vmem>>
      %run_scoped3A_27 = tpu.sem_alloc : memref<2x!tpu.dma_semaphore, #tpu.memory_space<semaphore_mem>>
      %add3A_28 = arith.constant 0 : i32
      %add3A_29 = arith.addi %add3A_28, %mul3A_22 : i32
      %select_n3A = arith.constant true
      %select_n3A_30 = arith.constant 0 : i32
      %select_n3A_31 = arith.constant -1 : i32
      %select_n3A_32 = arith.select %select_n3A, %select_n3A_31, %select_n3A_30 : i32
      %eq3A = arith.constant -1 : i32
      %eq3A_33 = arith.cmpi eq, %select_n3A_32, %eq3A : i32
      %select_n3A_34 = arith.constant 31 : i32
      %select_n3A_35 = arith.select %eq3A_33, %select_n3A_34, %select_n3A_32 : i32
      %add3A_36 = arith.addi %select_n3A_35, %mul3A_22 : i32
      %select_n3A_37 = arith.constant true
      %select_n3A_38 = arith.constant 0 : i32
      %select_n3A_39 = arith.constant 1 : i32
      %select_n3A_40 = arith.select %select_n3A_37, %select_n3A_39, %select_n3A_38 : i32
      %eq3A_41 = arith.constant 32 : i32
      %eq3A_42 = arith.cmpi eq, %select_n3A_40, %eq3A_41 : i32
      %select_n3A_43 = arith.constant 0 : i32
      %select_n3A_44 = arith.select %eq3A_42, %select_n3A_43, %select_n3A_40 : i32
      %add3A_45 = arith.addi %select_n3A_44, %mul3A_22 : i32
      %add3A_46 = arith.constant 1 : i32
      %add3A_47 = arith.addi %select_n3A_44, %add3A_46 : i32
      %select_n3A_48 = arith.constant true
      %select_n3A_49 = arith.select %select_n3A_48, %add3A_47, %select_n3A_44 : i32
      %eq3A_50 = arith.constant 32 : i32
      %eq3A_51 = arith.cmpi eq, %select_n3A_49, %eq3A_50 : i32
      %select_n3A_52 = arith.constant 0 : i32
      %select_n3A_53 = arith.select %eq3A_51, %select_n3A_52, %select_n3A_49 : i32
      %add3A_54 = arith.addi %select_n3A_53, %mul3A_22 : i32
      "tpu.trace_start"() <{level = 10 : i32, message = "ep_initialize_0"}> : () -> ()
      %rem3A = arith.constant 0 : i32
      %rem3A_55 = arith.constant 2 : i32
      %rem3A_56 = arith.remui %rem3A, %rem3A_55 : i32
      %mul3A_57 = arith.constant 8192 : i32
      %mul3A_58 = arith.muli %mul3A_57, %add3A_29 : i32
      %mul3A_59 = arith.constant 8192 : i32
      %mul3A_60 = arith.muli %rem3A_56, %mul3A_59 : i32
      %add3A_61 = arith.constant 0 : i32
      %add3A_62 = arith.addi %mul3A_60, %add3A_61 : i32
      %dma_start3A = tpu.memref_slice %run_scoped3A[%add3A_62] : memref<16384xf32, #tpu.memory_space<vmem>> -> memref<8192xf32, #tpu.memory_space<vmem>>
      %dma_start3A_63 = tpu.memref_slice %arg4[%mul3A_58] : memref<8388608xf32, #tpu.memory_space<hbm>> -> memref<8192xf32, #tpu.memory_space<hbm>>
      %dma_start3A_64 = tpu.memref_slice %run_scoped3A_23[%rem3A_56] : memref<2x!tpu.dma_semaphore, #tpu.memory_space<semaphore_mem>> -> memref<1x!tpu.dma_semaphore, #tpu.memory_space<semaphore_mem>>
      %dma_start3A_65 = tpu.memref_squeeze %dma_start3A_64 : memref<1x!tpu.dma_semaphore, #tpu.memory_space<semaphore_mem>> -> memref<!tpu.dma_semaphore, #tpu.memory_space<semaphore_mem>>
      %dma_start3A_66 = tpu.memref_slice %run_scoped3A[%add3A_62] : memref<16384xf32, #tpu.memory_space<vmem>> -> memref<8192xf32, #tpu.memory_space<vmem>>
      %dma_start3A_67 = tpu.memref_slice %arg4[%mul3A_58] : memref<8388608xf32, #tpu.memory_space<hbm>> -> memref<8192xf32, #tpu.memory_space<hbm>>
      tpu.enqueue_dma source(%dma_start3A_67 : memref<8192xf32, #tpu.memory_space<hbm>>) target(%dma_start3A_66 : memref<8192xf32, #tpu.memory_space<vmem>>) target_semaphore(%dma_start3A_65 : memref<!tpu.dma_semaphore, #tpu.memory_space<semaphore_mem>>)
      %add3A_68 = arith.constant 0 : i32
      %add3A_69 = arith.constant 1 : i32
      %add3A_70 = arith.addi %add3A_68, %add3A_69 : i32
      %select_n3A_71 = arith.constant true
      %select_n3A_72 = arith.constant 0 : i32
      %select_n3A_73 = arith.select %select_n3A_71, %add3A_70, %select_n3A_72 : i32
      "tpu.trace_stop"() : () -> ()
      %scan3A_74 = arith.constant 0 : i32
      %scan3A_75 = arith.constant 0 : i32
      %scan3A_76 = arith.constant 0 : i32
      %scan3A_77 = arith.constant 0 : i32
      %scan3A_78 = arith.constant 0 : i32
      %scan3A_79 = arith.constant 0 : i32
      %scan3A_80 = arith.constant 0 : i32
      %scan3A_81 = arith.constant 32 : i32
      %scan3A_82 = arith.addi %scan3A_80, %scan3A_81 : i32
      %scan3A_83 = arith.constant 1 : i32
      %scan3A_84:7 = scf.for %scan3A_148 = %scan3A_80 to %scan3A_82 step %scan3A_83 iter_args(%scan3A_149 = %select_n3A_73, %scan3A_150 = %scan3A_74, %scan3A_151 = %scan3A_75, %scan3A_152 = %scan3A_76, %scan3A_153 = %scan3A_77, %scan3A_154 = %scan3A_78, %scan3A_155 = %scan3A_79) -> (i32, i32, i32, i32, i32, i32, i32)  : i32 {
        %eq3A_156 = arith.constant 0 : i32
        %eq3A_157 = arith.cmpi eq, %scan3A_148, %eq3A_156 : i32
        %eq3A_158 = arith.constant 31 : i32
        %eq3A_159 = arith.cmpi eq, %scan3A_148, %eq3A_158 : i32
        %add3A_160 = arith.addi %scan3A_155, %mul3A_22 : i32
        %sub3A_161 = arith.constant 1 : i32
        %sub3A_162 = arith.subi %scan3A_155, %sub3A_161 : i32
        %select_n3A_163 = arith.constant true
        %select_n3A_164 = arith.select %select_n3A_163, %sub3A_162, %scan3A_155 : i32
        %eq3A_165 = arith.constant -1 : i32
        %eq3A_166 = arith.cmpi eq, %select_n3A_164, %eq3A_165 : i32
        %select_n3A_167 = arith.constant 31 : i32
        %select_n3A_168 = arith.select %eq3A_166, %select_n3A_167, %select_n3A_164 : i32
        %add3A_169 = arith.addi %select_n3A_168, %mul3A_22 : i32
        %add3A_170 = arith.constant 1 : i32
        %add3A_171 = arith.addi %scan3A_155, %add3A_170 : i32
        %select_n3A_172 = arith.constant true
        %select_n3A_173 = arith.select %select_n3A_172, %add3A_171, %scan3A_155 : i32
        %eq3A_174 = arith.constant 32 : i32
        %eq3A_175 = arith.cmpi eq, %select_n3A_173, %eq3A_174 : i32
        %select_n3A_176 = arith.constant 0 : i32
        %select_n3A_177 = arith.select %eq3A_175, %select_n3A_176, %select_n3A_173 : i32
        %add3A_178 = arith.addi %select_n3A_177, %mul3A_22 : i32
        %add3A_179 = arith.constant 1 : i32
        %add3A_180 = arith.addi %select_n3A_177, %add3A_179 : i32
        %select_n3A_181 = arith.constant true
        %select_n3A_182 = arith.select %select_n3A_181, %add3A_180, %select_n3A_177 : i32
        %eq3A_183 = arith.constant 32 : i32
        %eq3A_184 = arith.cmpi eq, %select_n3A_182, %eq3A_183 : i32
        %select_n3A_185 = arith.constant 0 : i32
        %select_n3A_186 = arith.select %eq3A_184, %select_n3A_185, %select_n3A_182 : i32
        %add3A_187 = arith.addi %select_n3A_186, %mul3A_22 : i32
        %ne3A = arith.cmpi ne, %add3A_160, %add3A_178 : i32
        %or3A = arith.constant false
        %or3A_188 = arith.ori %or3A, %ne3A : i1
        %ge3A = arith.constant 31 : i32
        %ge3A_189 = arith.cmpi sge, %scan3A_148, %ge3A : i32
        %not3A = arith.constant true
        %not3A_190 = arith.xori %ge3A_189, %not3A : i1
        %and3A = arith.andi %or3A_188, %not3A_190 : i1
        %convert_element_type3A = arith.extui %and3A : i1 to i32
        %cond3A = arith.constant 0 : i32
        %cond3A_191 = arith.cmpi ne, %convert_element_type3A, %cond3A : i32
        scf.if %cond3A_191 {
          "tpu.trace_start"() <{level = 10 : i32, message = "ep_copy_in"}> : () -> ()
          %rem3A_335 = arith.constant 2 : i32
          %rem3A_336 = arith.remui %scan3A_149, %rem3A_335 : i32
          %mul3A_337 = arith.constant 8192 : i32
          %mul3A_338 = arith.muli %mul3A_337, %add3A_178 : i32
          %mul3A_339 = arith.constant 8192 : i32
          %mul3A_340 = arith.muli %rem3A_336, %mul3A_339 : i32
          %add3A_341 = arith.constant 0 : i32
          %add3A_342 = arith.addi %mul3A_340, %add3A_341 : i32
          %dma_start3A_343 = tpu.memref_slice %run_scoped3A[%add3A_342] : memref<16384xf32, #tpu.memory_space<vmem>> -> memref<8192xf32, #tpu.memory_space<vmem>>
          %dma_start3A_344 = tpu.memref_slice %arg4[%mul3A_338] : memref<8388608xf32, #tpu.memory_space<hbm>> -> memref<8192xf32, #tpu.memory_space<hbm>>
          %dma_start3A_345 = tpu.memref_slice %run_scoped3A_23[%rem3A_336] : memref<2x!tpu.dma_semaphore, #tpu.memory_space<semaphore_mem>> -> memref<1x!tpu.dma_semaphore, #tpu.memory_space<semaphore_mem>>
          %dma_start3A_346 = tpu.memref_squeeze %dma_start3A_345 : memref<1x!tpu.dma_semaphore, #tpu.memory_space<semaphore_mem>> -> memref<!tpu.dma_semaphore, #tpu.memory_space<semaphore_mem>>
          %dma_start3A_347 = tpu.memref_slice %run_scoped3A[%add3A_342] : memref<16384xf32, #tpu.memory_space<vmem>> -> memref<8192xf32, #tpu.memory_space<vmem>>
          %dma_start3A_348 = tpu.memref_slice %arg4[%mul3A_338] : memref<8388608xf32, #tpu.memory_space<hbm>> -> memref<8192xf32, #tpu.memory_space<hbm>>
          tpu.enqueue_dma source(%dma_start3A_348 : memref<8192xf32, #tpu.memory_space<hbm>>) target(%dma_start3A_347 : memref<8192xf32, #tpu.memory_space<vmem>>) target_semaphore(%dma_start3A_346 : memref<!tpu.dma_semaphore, #tpu.memory_space<semaphore_mem>>)
          "tpu.trace_stop"() : () -> ()
        } else {
        }
        %and3A_192 = arith.constant true
        %and3A_193 = arith.andi %and3A, %and3A_192 : i1
        %add3A_194 = arith.constant 1 : i32
        %add3A_195 = arith.addi %scan3A_149, %add3A_194 : i32
        %select_n3A_196 = arith.select %and3A_193, %add3A_195, %scan3A_149 : i32
        %ne3A_197 = arith.cmpi ne, %add3A_160, %add3A_178 : i32
        %or3A_198 = arith.constant false
        %or3A_199 = arith.ori %or3A_198, %ne3A_197 : i1
        %ge3A_200 = arith.constant 31 : i32
        %ge3A_201 = arith.cmpi sge, %scan3A_148, %ge3A_200 : i32
        %not3A_202 = arith.constant true
        %not3A_203 = arith.xori %ge3A_201, %not3A_202 : i1
        %and3A_204 = arith.andi %or3A_199, %not3A_203 : i1
        %ne3A_205 = arith.cmpi ne, %add3A_160, %add3A_178 : i32
        %or3A_206 = arith.constant false
        %or3A_207 = arith.ori %or3A_206, %ne3A_205 : i1
        %ge3A_208 = arith.constant 31 : i32
        %ge3A_209 = arith.cmpi sge, %scan3A_148, %ge3A_208 : i32
        %not3A_210 = arith.constant true
        %not3A_211 = arith.xori %ge3A_209, %not3A_210 : i1
        %and3A_212 = arith.andi %or3A_207, %not3A_211 : i1
        %ne3A_213 = arith.cmpi ne, %add3A_160, %add3A_169 : i32
        %or3A_214 = arith.constant false
        %or3A_215 = arith.ori %or3A_214, %ne3A_213 : i1
        %or3A_216 = arith.ori %or3A_215, %eq3A_157 : i1
        %convert_element_type3A_217 = arith.extui %or3A_216 : i1 to i32
        %cond3A_218 = arith.constant 0 : i32
        %cond3A_219 = arith.cmpi ne, %convert_element_type3A_217, %cond3A_218 : i32
        scf.if %cond3A_219 {
          "tpu.trace_start"() <{level = 10 : i32, message = "ep_wait_in"}> : () -> ()
          %mul3A_335 = arith.constant 8192 : i32
          %mul3A_336 = arith.muli %mul3A_335, %add3A_160 : i32
          %rem3A_337 = arith.constant 2 : i32
          %rem3A_338 = arith.remui %scan3A_150, %rem3A_337 : i32
          %mul3A_339 = arith.constant 8192 : i32
          %mul3A_340 = arith.muli %rem3A_338, %mul3A_339 : i32
          %add3A_341 = arith.constant 0 : i32
          %add3A_342 = arith.addi %mul3A_340, %add3A_341 : i32
          %dma_wait3A_343 = tpu.memref_slice %run_scoped3A[%add3A_342] : memref<16384xf32, #tpu.memory_space<vmem>> -> memref<8192xf32, #tpu.memory_space<vmem>>
          %dma_wait3A_344 = tpu.memref_slice %arg4[%mul3A_336] : memref<8388608xf32, #tpu.memory_space<hbm>> -> memref<8192xf32, #tpu.memory_space<hbm>>
          %dma_wait3A_345 = tpu.memref_slice %run_scoped3A_23[%rem3A_338] : memref<2x!tpu.dma_semaphore, #tpu.memory_space<semaphore_mem>> -> memref<1x!tpu.dma_semaphore, #tpu.memory_space<semaphore_mem>>
          %dma_wait3A_346 = tpu.memref_squeeze %dma_wait3A_345 : memref<1x!tpu.dma_semaphore, #tpu.memory_space<semaphore_mem>> -> memref<!tpu.dma_semaphore, #tpu.memory_space<semaphore_mem>>
          %dma_wait3A_347 = tpu.memref_slice %run_scoped3A[%add3A_342] : memref<16384xf32, #tpu.memory_space<vmem>> -> memref<8192xf32, #tpu.memory_space<vmem>>
          %dma_wait3A_348 = tpu.memref_slice %arg4[%mul3A_336] : memref<8388608xf32, #tpu.memory_space<hbm>> -> memref<8192xf32, #tpu.memory_space<hbm>>
          tpu.wait_dma2 semaphore(%dma_wait3A_346 : memref<!tpu.dma_semaphore, #tpu.memory_space<semaphore_mem>>) src(%dma_wait3A_348 : memref<8192xf32, #tpu.memory_space<hbm>>) dst(%dma_wait3A_347 : memref<8192xf32, #tpu.memory_space<vmem>>)
          "tpu.trace_stop"() : () -> ()
        } else {
        }
        %ne3A_220 = arith.cmpi ne, %add3A_160, %add3A_169 : i32
        %or3A_221 = arith.constant false
        %or3A_222 = arith.ori %or3A_221, %ne3A_220 : i1
        %or3A_223 = arith.ori %or3A_222, %eq3A_157 : i1
        %convert_element_type3A_224 = arith.extui %or3A_223 : i1 to i32
        %cond3A_225 = arith.constant 0 : i32
        %cond3A_226 = arith.cmpi ne, %convert_element_type3A_224, %cond3A_225 : i32
        scf.if %cond3A_226 {
        } else {
        }
        %ne3A_227 = arith.cmpi ne, %add3A_160, %add3A_169 : i32
        %or3A_228 = arith.constant false
        %or3A_229 = arith.ori %or3A_228, %ne3A_227 : i1
        %or3A_230 = arith.ori %or3A_229, %eq3A_157 : i1
        %convert_element_type3A_231 = arith.extui %or3A_230 : i1 to i32
        %cond3A_232 = arith.constant 0 : i32
        %cond3A_233 = arith.cmpi ne, %convert_element_type3A_231, %cond3A_232 : i32
        scf.if %cond3A_233 {
        } else {
        }
        %rem3A_234 = arith.constant 2 : i32
        %rem3A_235 = arith.remui %scan3A_150, %rem3A_234 : i32
        %mul3A_236 = arith.constant 8192 : i32
        %mul3A_237 = arith.muli %rem3A_235, %mul3A_236 : i32
        %rem3A_238 = arith.constant 2 : i32
        %rem3A_239 = arith.remui %scan3A_151, %rem3A_238 : i32
        %mul3A_240 = arith.constant 8192 : i32
        %mul3A_241 = arith.muli %rem3A_239, %mul3A_240 : i32
        %rem3A_242 = arith.constant 2 : i32
        %rem3A_243 = arith.remui %scan3A_153, %rem3A_242 : i32
        %mul3A_244 = arith.constant 8192 : i32
        %mul3A_245 = arith.muli %rem3A_243, %mul3A_244 : i32
        %parallel_loop3A = arith.constant 0 : i32
        %parallel_loop3A_246 = arith.constant 8192 : i32
        %parallel_loop3A_247 = arith.constant 16 : i32
        "tpu.trace_start"() <{level = 10 : i32, message = "ep_run_kernel"}> : () -> ()
        scf.for %parallel_loop3A_335 = %parallel_loop3A to %parallel_loop3A_246 step %parallel_loop3A_247  : i32 {
          %parallel_loop3A_336 = tpu.memref_slice %run_scoped3A[%mul3A_237] : memref<16384xf32, #tpu.memory_space<vmem>> -> memref<8192xf32, #tpu.memory_space<vmem>>
          %parallel_loop3A_337 = arith.index_cast %parallel_loop3A_335 : i32 to index
          %parallel_loop3A_338 = tpu.vector_load %parallel_loop3A_336[%parallel_loop3A_337] {strides = array<i32>} : memref<8192xf32, #tpu.memory_space<vmem>>, vector<16xf32>,
          %parallel_loop3A_339 = arith.constant 8.192000e+03 : f32
          %parallel_loop3A_340 = vector.broadcast %parallel_loop3A_339 : f32 to vector<16xf32>
          %parallel_loop3A_341 = arith.mulf %parallel_loop3A_338, %parallel_loop3A_340 : vector<16xf32>
          %parallel_loop3A_342 = arith.fptosi %parallel_loop3A_341 : vector<16xf32> to vector<16xi32>
          %parallel_loop3A_343 = tpu.vector_load_idx %arg9[%parallel_loop3A_342] : memref<8192xi32, #tpu.memory_space<vmem>>[vector<16xi32>], vector<16xi32>,
          %parallel_loop3A_344 = tpu.vector_load_idx %arg10[%parallel_loop3A_342] : memref<8192xf32, #tpu.memory_space<vmem>>[vector<16xi32>], vector<16xf32>,
          %parallel_loop3A_345 = tpu.vector_load_idx %arg11[%parallel_loop3A_342] : memref<8192xf32, #tpu.memory_space<vmem>>[vector<16xi32>], vector<16xf32>,
          %parallel_loop3A_346 = tpu.vector_load_idx %arg12[%parallel_loop3A_342] : memref<8192xf32, #tpu.memory_space<vmem>>[vector<16xi32>], vector<16xf32>,
          %parallel_loop3A_347 = arith.cmpf oge, %parallel_loop3A_338, %parallel_loop3A_344 : vector<16xf32>
          %parallel_loop3A_348 = arith.extui %parallel_loop3A_347 : vector<16xi1> to vector<16xi32>
          %parallel_loop3A_349 = arith.addi %parallel_loop3A_343, %parallel_loop3A_348 : vector<16xi32>
          %parallel_loop3A_350 = arith.select %parallel_loop3A_347, %parallel_loop3A_344, %parallel_loop3A_345 : vector<16xi1>, vector<16xf32>
          %parallel_loop3A_351 = arith.select %parallel_loop3A_347, %parallel_loop3A_346, %parallel_loop3A_344 : vector<16xi1>, vector<16xf32>
          %parallel_loop3A_352 = arith.sitofp %parallel_loop3A_349 : vector<16xi32> to vector<16xf32>
          %parallel_loop3A_353 = arith.constant 1.000000e-03 : f32
          %parallel_loop3A_354 = vector.broadcast %parallel_loop3A_353 : f32 to vector<16xf32>
          %parallel_loop3A_355 = arith.mulf %parallel_loop3A_352, %parallel_loop3A_354 : vector<16xf32>
          %parallel_loop3A_356 = arith.constant 1.000000e+00 : f32
          %parallel_loop3A_357 = vector.broadcast %parallel_loop3A_356 : f32 to vector<16xf32>
          %parallel_loop3A_358 = arith.addf %parallel_loop3A_352, %parallel_loop3A_357 : vector<16xf32>
          %parallel_loop3A_359 = arith.constant 1.000000e-03 : f32
          %parallel_loop3A_360 = vector.broadcast %parallel_loop3A_359 : f32 to vector<16xf32>
          %parallel_loop3A_361 = arith.mulf %parallel_loop3A_358, %parallel_loop3A_360 : vector<16xf32>
          %parallel_loop3A_362 = arith.subf %parallel_loop3A_338, %parallel_loop3A_350 : vector<16xf32>
          %parallel_loop3A_363 = arith.subf %parallel_loop3A_351, %parallel_loop3A_350 : vector<16xf32>
          %parallel_loop3A_364 = arith.divf %parallel_loop3A_362, %parallel_loop3A_363 : vector<16xf32>
          %parallel_loop3A_365 = arith.subf %parallel_loop3A_361, %parallel_loop3A_355 : vector<16xf32>
          %parallel_loop3A_366 = arith.mulf %parallel_loop3A_364, %parallel_loop3A_365 : vector<16xf32>
          %parallel_loop3A_367 = arith.addf %parallel_loop3A_355, %parallel_loop3A_366 : vector<16xf32>
          %parallel_loop3A_368 = arith.constant 1.000000e-03 : f32
          %parallel_loop3A_369 = vector.broadcast %parallel_loop3A_368 : f32 to vector<16xf32>
          %parallel_loop3A_370 = arith.divf %parallel_loop3A_367, %parallel_loop3A_369 : vector<16xf32>
          %parallel_loop3A_371 = arith.fptosi %parallel_loop3A_370 : vector<16xf32> to vector<16xi32>
          %parallel_loop3A_372 = arith.constant 999 : i32
          %parallel_loop3A_373 = vector.broadcast %parallel_loop3A_372 : i32 to vector<16xi32>
          %parallel_loop3A_374 = arith.minsi %parallel_loop3A_371, %parallel_loop3A_373 : vector<16xi32>
          %parallel_loop3A_375 = tpu.vector_load_idx %arg8[%parallel_loop3A_374] : memref<1008xf32, #tpu.memory_space<vmem>>[vector<16xi32>], vector<16xf32>,
          %parallel_loop3A_376 = arith.constant 1.000000e-03 : f32
          %parallel_loop3A_377 = vector.broadcast %parallel_loop3A_376 : f32 to vector<16xf32>
          %parallel_loop3A_378 = arith.divf %parallel_loop3A_375, %parallel_loop3A_377 : vector<16xf32>
          %parallel_loop3A_379 = tpu.memref_slice %run_scoped3A_24[%mul3A_241] : memref<16384xf32, #tpu.memory_space<vmem>> -> memref<8192xf32, #tpu.memory_space<vmem>>
          %parallel_loop3A_380 = arith.index_cast %parallel_loop3A_335 : i32 to index
          %parallel_loop3A_381 = tpu.vector_load %parallel_loop3A_379[%parallel_loop3A_380] {strides = array<i32>} : memref<8192xf32, #tpu.memory_space<vmem>>, vector<16xf32>,
          tpu.vector_store %parallel_loop3A_379[%parallel_loop3A_380], %parallel_loop3A_378 {strides = array<i32>} : memref<8192xf32, #tpu.memory_space<vmem>>, vector<16xf32>,
          %parallel_loop3A_382 = tpu.memref_slice %run_scoped3A_26[%mul3A_245] : memref<16384xf32, #tpu.memory_space<vmem>> -> memref<8192xf32, #tpu.memory_space<vmem>>
          %parallel_loop3A_383 = arith.index_cast %parallel_loop3A_335 : i32 to index
          %parallel_loop3A_384 = tpu.vector_load %parallel_loop3A_382[%parallel_loop3A_383] {strides = array<i32>} : memref<8192xf32, #tpu.memory_space<vmem>>, vector<16xf32>,
          tpu.vector_store %parallel_loop3A_382[%parallel_loop3A_383], %parallel_loop3A_367 {strides = array<i32>} : memref<8192xf32, #tpu.memory_space<vmem>>, vector<16xf32>,
        } {sc.loop_unroll_factor = 4 : i64, sc.parallel_access}
        "tpu.trace_stop"() : () -> ()
        %ne3A_248 = arith.cmpi ne, %add3A_160, %add3A_178 : i32
        %or3A_249 = arith.constant false
        %or3A_250 = arith.ori %or3A_249, %ne3A_248 : i1
        %or3A_251 = arith.ori %or3A_250, %eq3A_159 : i1
        %convert_element_type3A_252 = arith.extui %or3A_251 : i1 to i32
        %cond3A_253 = arith.constant 0 : i32
        %cond3A_254 = arith.cmpi ne, %convert_element_type3A_252, %cond3A_253 : i32
        scf.if %cond3A_254 {
        } else {
        }
        %and3A_255 = arith.constant false
        %and3A_256 = arith.andi %or3A_251, %and3A_255 : i1
        %ne3A_257 = arith.cmpi ne, %add3A_160, %add3A_178 : i32
        %or3A_258 = arith.constant false
        %or3A_259 = arith.ori %or3A_258, %ne3A_257 : i1
        %or3A_260 = arith.ori %or3A_259, %eq3A_159 : i1
        %convert_element_type3A_261 = arith.extui %or3A_260 : i1 to i32
        %cond3A_262 = arith.constant 0 : i32
        %cond3A_263 = arith.cmpi ne, %convert_element_type3A_261, %cond3A_262 : i32
        scf.if %cond3A_263 {
          "tpu.trace_start"() <{level = 10 : i32, message = "ep_copy_out"}> : () -> ()
          %rem3A_335 = arith.constant 2 : i32
          %rem3A_336 = arith.remui %scan3A_151, %rem3A_335 : i32
          %mul3A_337 = arith.constant 8192 : i32
          %mul3A_338 = arith.muli %mul3A_337, %add3A_160 : i32
          %mul3A_339 = arith.constant 8192 : i32
          %mul3A_340 = arith.muli %rem3A_336, %mul3A_339 : i32
          %add3A_341 = arith.constant 0 : i32
          %add3A_342 = arith.addi %mul3A_340, %add3A_341 : i32
          %dma_start3A_343 = tpu.memref_slice %run_scoped3A_24[%add3A_342] : memref<16384xf32, #tpu.memory_space<vmem>> -> memref<8192xf32, #tpu.memory_space<vmem>>
          %dma_start3A_344 = tpu.memref_slice %arg5[%mul3A_338] : memref<8388608xf32, #tpu.memory_space<hbm>> -> memref<8192xf32, #tpu.memory_space<hbm>>
          %dma_start3A_345 = tpu.memref_slice %run_scoped3A_25[%rem3A_336] : memref<2x!tpu.dma_semaphore, #tpu.memory_space<semaphore_mem>> -> memref<1x!tpu.dma_semaphore, #tpu.memory_space<semaphore_mem>>
          %dma_start3A_346 = tpu.memref_squeeze %dma_start3A_345 : memref<1x!tpu.dma_semaphore, #tpu.memory_space<semaphore_mem>> -> memref<!tpu.dma_semaphore, #tpu.memory_space<semaphore_mem>>
          %dma_start3A_347 = tpu.memref_slice %arg5[%mul3A_338] : memref<8388608xf32, #tpu.memory_space<hbm>> -> memref<8192xf32, #tpu.memory_space<hbm>>
          %dma_start3A_348 = tpu.memref_slice %run_scoped3A_24[%add3A_342] : memref<16384xf32, #tpu.memory_space<vmem>> -> memref<8192xf32, #tpu.memory_space<vmem>>
          tpu.enqueue_dma source(%dma_start3A_348 : memref<8192xf32, #tpu.memory_space<vmem>>) target(%dma_start3A_347 : memref<8192xf32, #tpu.memory_space<hbm>>) target_semaphore(%dma_start3A_346 : memref<!tpu.dma_semaphore, #tpu.memory_space<semaphore_mem>>)
          "tpu.trace_stop"() : () -> ()
        } else {
        }
        %and3A_264 = arith.constant true
        %and3A_265 = arith.andi %or3A_260, %and3A_264 : i1
        %add3A_266 = arith.constant 1 : i32
        %add3A_267 = arith.addi %scan3A_151, %add3A_266 : i32
        %select_n3A_268 = arith.select %and3A_265, %add3A_267, %scan3A_151 : i32
        %ne3A_269 = arith.cmpi ne, %add3A_160, %add3A_178 : i32
        %or3A_270 = arith.constant false
        %or3A_271 = arith.ori %or3A_270, %ne3A_269 : i1
        %or3A_272 = arith.ori %or3A_271, %eq3A_159 : i1
        %convert_element_type3A_273 = arith.extui %or3A_272 : i1 to i32
        %cond3A_274 = arith.constant 0 : i32
        %cond3A_275 = arith.cmpi ne, %convert_element_type3A_273, %cond3A_274 : i32
        scf.if %cond3A_275 {
          "tpu.trace_start"() <{level = 10 : i32, message = "ep_copy_out"}> : () -> ()
          %rem3A_335 = arith.constant 2 : i32
          %rem3A_336 = arith.remui %scan3A_153, %rem3A_335 : i32
          %mul3A_337 = arith.constant 8192 : i32
          %mul3A_338 = arith.muli %mul3A_337, %add3A_160 : i32
          %mul3A_339 = arith.constant 8192 : i32
          %mul3A_340 = arith.muli %rem3A_336, %mul3A_339 : i32
          %add3A_341 = arith.constant 0 : i32
          %add3A_342 = arith.addi %mul3A_340, %add3A_341 : i32
          %dma_start3A_343 = tpu.memref_slice %run_scoped3A_26[%add3A_342] : memref<16384xf32, #tpu.memory_space<vmem>> -> memref<8192xf32, #tpu.memory_space<vmem>>
          %dma_start3A_344 = tpu.memref_slice %arg6[%mul3A_338] : memref<8388608xf32, #tpu.memory_space<hbm>> -> memref<8192xf32, #tpu.memory_space<hbm>>
          %dma_start3A_345 = tpu.memref_slice %run_scoped3A_27[%rem3A_336] : memref<2x!tpu.dma_semaphore, #tpu.memory_space<semaphore_mem>> -> memref<1x!tpu.dma_semaphore, #tpu.memory_space<semaphore_mem>>
          %dma_start3A_346 = tpu.memref_squeeze %dma_start3A_345 : memref<1x!tpu.dma_semaphore, #tpu.memory_space<semaphore_mem>> -> memref<!tpu.dma_semaphore, #tpu.memory_space<semaphore_mem>>
          %dma_start3A_347 = tpu.memref_slice %arg6[%mul3A_338] : memref<8388608xf32, #tpu.memory_space<hbm>> -> memref<8192xf32, #tpu.memory_space<hbm>>
          %dma_start3A_348 = tpu.memref_slice %run_scoped3A_26[%add3A_342] : memref<16384xf32, #tpu.memory_space<vmem>> -> memref<8192xf32, #tpu.memory_space<vmem>>
          tpu.enqueue_dma source(%dma_start3A_348 : memref<8192xf32, #tpu.memory_space<vmem>>) target(%dma_start3A_347 : memref<8192xf32, #tpu.memory_space<hbm>>) target_semaphore(%dma_start3A_346 : memref<!tpu.dma_semaphore, #tpu.memory_space<semaphore_mem>>)
          "tpu.trace_stop"() : () -> ()
        } else {
        }
        %and3A_276 = arith.constant true
        %and3A_277 = arith.andi %or3A_272, %and3A_276 : i1
        %add3A_278 = arith.constant 1 : i32
        %add3A_279 = arith.addi %scan3A_153, %add3A_278 : i32
        %select_n3A_280 = arith.select %and3A_277, %add3A_279, %scan3A_153 : i32
        %ne3A_281 = arith.cmpi ne, %add3A_160, %add3A_169 : i32
        %or3A_282 = arith.constant false
        %or3A_283 = arith.ori %or3A_282, %ne3A_281 : i1
        %not3A_284 = arith.constant true
        %not3A_285 = arith.xori %eq3A_157, %not3A_284 : i1
        %and3A_286 = arith.andi %or3A_283, %not3A_285 : i1
        %convert_element_type3A_287 = arith.extui %and3A_286 : i1 to i32
        %cond3A_288 = arith.constant 0 : i32
        %cond3A_289 = arith.cmpi ne, %convert_element_type3A_287, %cond3A_288 : i32
        scf.if %cond3A_289 {
        } else {
        }
        %and3A_290 = arith.constant false
        %and3A_291 = arith.andi %and3A_286, %and3A_290 : i1
        %ne3A_292 = arith.cmpi ne, %add3A_160, %add3A_169 : i32
        %or3A_293 = arith.constant false
        %or3A_294 = arith.ori %or3A_293, %ne3A_292 : i1
        %not3A_295 = arith.constant true
        %not3A_296 = arith.xori %eq3A_157, %not3A_295 : i1
        %and3A_297 = arith.andi %or3A_294, %not3A_296 : i1
        %convert_element_type3A_298 = arith.extui %and3A_297 : i1 to i32
        %cond3A_299 = arith.constant 0 : i32
        %cond3A_300 = arith.cmpi ne, %convert_element_type3A_298, %cond3A_299 : i32
        scf.if %cond3A_300 {
          "tpu.trace_start"() <{level = 10 : i32, message = "ep_wait_out"}> : () -> ()
          %rem3A_335 = arith.constant 2 : i32
          %rem3A_336 = arith.remui %scan3A_152, %rem3A_335 : i32
          %mul3A_337 = arith.constant 8192 : i32
          %mul3A_338 = arith.muli %mul3A_337, %add3A_169 : i32
          %mul3A_339 = arith.constant 8192 : i32
          %mul3A_340 = arith.muli %rem3A_336, %mul3A_339 : i32
          %add3A_341 = arith.constant 0 : i32
          %add3A_342 = arith.addi %mul3A_340, %add3A_341 : i32
          %dma_wait3A_343 = tpu.memref_slice %run_scoped3A_24[%add3A_342] : memref<16384xf32, #tpu.memory_space<vmem>> -> memref<8192xf32, #tpu.memory_space<vmem>>
          %dma_wait3A_344 = tpu.memref_slice %arg5[%mul3A_338] : memref<8388608xf32, #tpu.memory_space<hbm>> -> memref<8192xf32, #tpu.memory_space<hbm>>
          %dma_wait3A_345 = tpu.memref_slice %run_scoped3A_25[%rem3A_336] : memref<2x!tpu.dma_semaphore, #tpu.memory_space<semaphore_mem>> -> memref<1x!tpu.dma_semaphore, #tpu.memory_space<semaphore_mem>>
          %dma_wait3A_346 = tpu.memref_squeeze %dma_wait3A_345 : memref<1x!tpu.dma_semaphore, #tpu.memory_space<semaphore_mem>> -> memref<!tpu.dma_semaphore, #tpu.memory_space<semaphore_mem>>
          %dma_wait3A_347 = tpu.memref_slice %arg5[%mul3A_338] : memref<8388608xf32, #tpu.memory_space<hbm>> -> memref<8192xf32, #tpu.memory_space<hbm>>
          %dma_wait3A_348 = tpu.memref_slice %run_scoped3A_24[%add3A_342] : memref<16384xf32, #tpu.memory_space<vmem>> -> memref<8192xf32, #tpu.memory_space<vmem>>
          tpu.wait_dma2 semaphore(%dma_wait3A_346 : memref<!tpu.dma_semaphore, #tpu.memory_space<semaphore_mem>>) src(%dma_wait3A_348 : memref<8192xf32, #tpu.memory_space<vmem>>) dst(%dma_wait3A_347 : memref<8192xf32, #tpu.memory_space<hbm>>)
          "tpu.trace_stop"() : () -> ()
        } else {
        }
        %and3A_301 = arith.constant true
        %and3A_302 = arith.andi %and3A_297, %and3A_301 : i1
        %add3A_303 = arith.constant 1 : i32
        %add3A_304 = arith.addi %scan3A_152, %add3A_303 : i32
        %select_n3A_305 = arith.select %and3A_302, %add3A_304, %scan3A_152 : i32
        %ne3A_306 = arith.cmpi ne, %add3A_160, %add3A_169 : i32
        %or3A_307 = arith.constant false
        %or3A_308 = arith.ori %or3A_307, %ne3A_306 : i1
        %not3A_309 = arith.constant true
        %not3A_310 = arith.xori %eq3A_157, %not3A_309 : i1
        %and3A_311 = arith.andi %or3A_308, %not3A_310 : i1
        %convert_element_type3A_312 = arith.extui %and3A_311 : i1 to i32
        %cond3A_313 = arith.constant 0 : i32
        %cond3A_314 = arith.cmpi ne, %convert_element_type3A_312, %cond3A_313 : i32
        scf.if %cond3A_314 {
          "tpu.trace_start"() <{level = 10 : i32, message = "ep_wait_out"}> : () -> ()
          %rem3A_335 = arith.constant 2 : i32
          %rem3A_336 = arith.remui %scan3A_154, %rem3A_335 : i32
          %mul3A_337 = arith.constant 8192 : i32
          %mul3A_338 = arith.muli %mul3A_337, %add3A_169 : i32
          %mul3A_339 = arith.constant 8192 : i32
          %mul3A_340 = arith.muli %rem3A_336, %mul3A_339 : i32
          %add3A_341 = arith.constant 0 : i32
          %add3A_342 = arith.addi %mul3A_340, %add3A_341 : i32
          %dma_wait3A_343 = tpu.memref_slice %run_scoped3A_26[%add3A_342] : memref<16384xf32, #tpu.memory_space<vmem>> -> memref<8192xf32, #tpu.memory_space<vmem>>
          %dma_wait3A_344 = tpu.memref_slice %arg6[%mul3A_338] : memref<8388608xf32, #tpu.memory_space<hbm>> -> memref<8192xf32, #tpu.memory_space<hbm>>
          %dma_wait3A_345 = tpu.memref_slice %run_scoped3A_27[%rem3A_336] : memref<2x!tpu.dma_semaphore, #tpu.memory_space<semaphore_mem>> -> memref<1x!tpu.dma_semaphore, #tpu.memory_space<semaphore_mem>>
          %dma_wait3A_346 = tpu.memref_squeeze %dma_wait3A_345 : memref<1x!tpu.dma_semaphore, #tpu.memory_space<semaphore_mem>> -> memref<!tpu.dma_semaphore, #tpu.memory_space<semaphore_mem>>
          %dma_wait3A_347 = tpu.memref_slice %arg6[%mul3A_338] : memref<8388608xf32, #tpu.memory_space<hbm>> -> memref<8192xf32, #tpu.memory_space<hbm>>
          %dma_wait3A_348 = tpu.memref_slice %run_scoped3A_26[%add3A_342] : memref<16384xf32, #tpu.memory_space<vmem>> -> memref<8192xf32, #tpu.memory_space<vmem>>
          tpu.wait_dma2 semaphore(%dma_wait3A_346 : memref<!tpu.dma_semaphore, #tpu.memory_space<semaphore_mem>>) src(%dma_wait3A_348 : memref<8192xf32, #tpu.memory_space<vmem>>) dst(%dma_wait3A_347 : memref<8192xf32, #tpu.memory_space<hbm>>)
          "tpu.trace_stop"() : () -> ()
        } else {
        }
        %and3A_315 = arith.constant true
        %and3A_316 = arith.andi %and3A_311, %and3A_315 : i1
        %add3A_317 = arith.constant 1 : i32
        %add3A_318 = arith.addi %scan3A_154, %add3A_317 : i32
        %select_n3A_319 = arith.select %and3A_316, %add3A_318, %scan3A_154 : i32
        %ne3A_320 = arith.cmpi ne, %add3A_160, %add3A_178 : i32
        %or3A_321 = arith.constant false
        %or3A_322 = arith.ori %or3A_321, %ne3A_320 : i1
        %or3A_323 = arith.ori %or3A_322, %eq3A_159 : i1
        %add3A_324 = arith.constant 1 : i32
        %add3A_325 = arith.addi %scan3A_150, %add3A_324 : i32
        %select_n3A_326 = arith.select %or3A_323, %add3A_325, %scan3A_150 : i32
        %add3A_327 = arith.constant 1 : i32
        %add3A_328 = arith.addi %scan3A_155, %add3A_327 : i32
        %select_n3A_329 = arith.constant true
        %select_n3A_330 = arith.select %select_n3A_329, %add3A_328, %scan3A_155 : i32
        %eq3A_331 = arith.constant 32 : i32
        %eq3A_332 = arith.cmpi eq, %select_n3A_330, %eq3A_331 : i32
        %select_n3A_333 = arith.constant 0 : i32
        %select_n3A_334 = arith.select %eq3A_332, %select_n3A_333, %select_n3A_330 : i32
        scf.yield %select_n3A_196, %select_n3A_326, %select_n3A_268, %select_n3A_305, %select_n3A_280, %select_n3A_319, %select_n3A_334 : i32, i32, i32, i32, i32, i32, i32
      }
      %scan3A_85 = arith.constant 32 : i32
      %sub3A = arith.constant 1 : i32
      %sub3A_86 = arith.subi %scan3A_84#6, %sub3A : i32
      %select_n3A_87 = arith.constant true
      %select_n3A_88 = arith.select %select_n3A_87, %sub3A_86, %scan3A_84#6 : i32
      %eq3A_89 = arith.constant -1 : i32
      %eq3A_90 = arith.cmpi eq, %select_n3A_88, %eq3A_89 : i32
      %select_n3A_91 = arith.constant 31 : i32
      %select_n3A_92 = arith.select %eq3A_90, %select_n3A_91, %select_n3A_88 : i32
      %add3A_93 = arith.addi %select_n3A_92, %mul3A_22 : i32
      %sub3A_94 = arith.constant 1 : i32
      %sub3A_95 = arith.subi %select_n3A_92, %sub3A_94 : i32
      %select_n3A_96 = arith.constant true
      %select_n3A_97 = arith.select %select_n3A_96, %sub3A_95, %select_n3A_92 : i32
      %eq3A_98 = arith.constant -1 : i32
      %eq3A_99 = arith.cmpi eq, %select_n3A_97, %eq3A_98 : i32
      %select_n3A_100 = arith.constant 31 : i32
      %select_n3A_101 = arith.select %eq3A_99, %select_n3A_100, %select_n3A_97 : i32
      %add3A_102 = arith.addi %select_n3A_101, %mul3A_22 : i32
      %add3A_103 = arith.constant 1 : i32
      %add3A_104 = arith.addi %select_n3A_92, %add3A_103 : i32
      %select_n3A_105 = arith.constant true
      %select_n3A_106 = arith.select %select_n3A_105, %add3A_104, %select_n3A_92 : i32
      %eq3A_107 = arith.constant 32 : i32
      %eq3A_108 = arith.cmpi eq, %select_n3A_106, %eq3A_107 : i32
      %select_n3A_109 = arith.constant 0 : i32
      %select_n3A_110 = arith.select %eq3A_108, %select_n3A_109, %select_n3A_106 : i32
      %add3A_111 = arith.addi %select_n3A_110, %mul3A_22 : i32
      %add3A_112 = arith.constant 1 : i32
      %add3A_113 = arith.addi %select_n3A_110, %add3A_112 : i32
      %select_n3A_114 = arith.constant true
      %select_n3A_115 = arith.select %select_n3A_114, %add3A_113, %select_n3A_110 : i32
      %eq3A_116 = arith.constant 32 : i32
      %eq3A_117 = arith.cmpi eq, %select_n3A_115, %eq3A_116 : i32
      %select_n3A_118 = arith.constant 0 : i32
      %select_n3A_119 = arith.select %eq3A_117, %select_n3A_118, %select_n3A_115 : i32
      %add3A_120 = arith.addi %select_n3A_119, %mul3A_22 : i32
      "tpu.trace_start"() <{level = 10 : i32, message = "ep_finalize"}> : () -> ()
      %rem3A_121 = arith.constant 2 : i32
      %rem3A_122 = arith.remui %scan3A_84#3, %rem3A_121 : i32
      %mul3A_123 = arith.constant 8192 : i32
      %mul3A_124 = arith.muli %mul3A_123, %add3A_93 : i32
      %mul3A_125 = arith.constant 8192 : i32
      %mul3A_126 = arith.muli %rem3A_122, %mul3A_125 : i32
      %add3A_127 = arith.constant 0 : i32
      %add3A_128 = arith.addi %mul3A_126, %add3A_127 : i32
      %dma_wait3A = tpu.memref_slice %run_scoped3A_24[%add3A_128] : memref<16384xf32, #tpu.memory_space<vmem>> -> memref<8192xf32, #tpu.memory_space<vmem>>
      %dma_wait3A_129 = tpu.memref_slice %arg5[%mul3A_124] : memref<8388608xf32, #tpu.memory_space<hbm>> -> memref<8192xf32, #tpu.memory_space<hbm>>
      %dma_wait3A_130 = tpu.memref_slice %run_scoped3A_25[%rem3A_122] : memref<2x!tpu.dma_semaphore, #tpu.memory_space<semaphore_mem>> -> memref<1x!tpu.dma_semaphore, #tpu.memory_space<semaphore_mem>>
      %dma_wait3A_131 = tpu.memref_squeeze %dma_wait3A_130 : memref<1x!tpu.dma_semaphore, #tpu.memory_space<semaphore_mem>> -> memref<!tpu.dma_semaphore, #tpu.memory_space<semaphore_mem>>
      %dma_wait3A_132 = tpu.memref_slice %arg5[%mul3A_124] : memref<8388608xf32, #tpu.memory_space<hbm>> -> memref<8192xf32, #tpu.memory_space<hbm>>
      %dma_wait3A_133 = tpu.memref_slice %run_scoped3A_24[%add3A_128] : memref<16384xf32, #tpu.memory_space<vmem>> -> memref<8192xf32, #tpu.memory_space<vmem>>
      tpu.wait_dma2 semaphore(%dma_wait3A_131 : memref<!tpu.dma_semaphore, #tpu.memory_space<semaphore_mem>>) src(%dma_wait3A_133 : memref<8192xf32, #tpu.memory_space<vmem>>) dst(%dma_wait3A_132 : memref<8192xf32, #tpu.memory_space<hbm>>)
      %rem3A_134 = arith.constant 2 : i32
      %rem3A_135 = arith.remui %scan3A_84#5, %rem3A_134 : i32
      %mul3A_136 = arith.constant 8192 : i32
      %mul3A_137 = arith.muli %mul3A_136, %add3A_93 : i32
      %mul3A_138 = arith.constant 8192 : i32
      %mul3A_139 = arith.muli %rem3A_135, %mul3A_138 : i32
      %add3A_140 = arith.constant 0 : i32
      %add3A_141 = arith.addi %mul3A_139, %add3A_140 : i32
      %dma_wait3A_142 = tpu.memref_slice %run_scoped3A_26[%add3A_141] : memref<16384xf32, #tpu.memory_space<vmem>> -> memref<8192xf32, #tpu.memory_space<vmem>>
      %dma_wait3A_143 = tpu.memref_slice %arg6[%mul3A_137] : memref<8388608xf32, #tpu.memory_space<hbm>> -> memref<8192xf32, #tpu.memory_space<hbm>>
      %dma_wait3A_144 = tpu.memref_slice %run_scoped3A_27[%rem3A_135] : memref<2x!tpu.dma_semaphore, #tpu.memory_space<semaphore_mem>> -> memref<1x!tpu.dma_semaphore, #tpu.memory_space<semaphore_mem>>
      %dma_wait3A_145 = tpu.memref_squeeze %dma_wait3A_144 : memref<1x!tpu.dma_semaphore, #tpu.memory_space<semaphore_mem>> -> memref<!tpu.dma_semaphore, #tpu.memory_space<semaphore_mem>>
      %dma_wait3A_146 = tpu.memref_slice %arg6[%mul3A_137] : memref<8388608xf32, #tpu.memory_space<hbm>> -> memref<8192xf32, #tpu.memory_space<hbm>>
      %dma_wait3A_147 = tpu.memref_slice %run_scoped3A_26[%add3A_141] : memref<16384xf32, #tpu.memory_space<vmem>> -> memref<8192xf32, #tpu.memory_space<vmem>>
      tpu.wait_dma2 semaphore(%dma_wait3A_145 : memref<!tpu.dma_semaphore, #tpu.memory_space<semaphore_mem>>) src(%dma_wait3A_147 : memref<8192xf32, #tpu.memory_space<vmem>>) dst(%dma_wait3A_146 : memref<8192xf32, #tpu.memory_space<hbm>>)
      "tpu.trace_stop"() : () -> ()
      tpu.yield
    }) : () -> ()
    return
  }
}

</mosaic_0001>

<sc_bundles>
// kernel: kernel.3.cloned.1.call-start
scs
__scs_entry_jumppad:
0x0: {  	(pc) =	sbr.rel $0x88, $3  }
0x1: {  	(tag) =	ssettag $0x0;
	lr =	simm.s32 $0x1  }
0x2: {  	[smem:$0x3F9F] =	sst lr;
	_ =	strace $0xD0000000  }
0x3: {  	_ = 	snop  }
0x4: {  	_ = 	snop  }
0x5: {  	_ = 	snop  }
0x6: {  	_ = 	snop  }
0x7: {  	_ = 	snop  }
__scs_overlays_trampoline_lowered:
0x8: {  	[smem:$0x3FAE] =	sst s0  }
0x9: {  	[smem:$0x3FAF] =	sst s1  }
0xa: {  	[smem:$0x3FB0] =	sst s2  }
0xb: {  	[smem:$0x3FB1] =	sst s3  }
0xc: {  	[smem:$0x3FB2] =	sst s4  }
0xd: {  	[smem:$0x3FB3] =	sst s5  }
0xe: {  	[smem:$0x3FB4] =	sst s6  }
0xf: {  	[smem:$0x3FB5] =	sst s7  }
0x10: {  	[smem:$0x3FB6] =	sst s8  }
0x11: {  	[smem:$0x3FB7] =	sst s9;
	s0 =	simm.s32 @!p0 $0x0  }
0x12: {  	s1 =	sld [smem:$0x3F9D];
	s0 =	simm.s32 @p0 $0x1  }
0x13: {  	[smem:$0x3FB8] =	sst s0;
	s0 =	simm.s32 @!p1 $0x0  }
0x14: {  	s2 =	sld [smem:$0x3F9C];
	s0 =	simm.s32 @p1 $0x1  }
0x15: {  	[smem:$0x3FB9] =	sst s0;
	s0 =	simm.s32 @!p2 $0x0  }
0x16: {  	s3 =	sld [smem:$0x3FDB];
	s0 =	simm.s32 @p2 $0x1  }
0x17: {  	s4 =	simm.s32 $0x1BF5;
	[smem:$0x3FBB] =	sst s0  }
0x18: {  	s0 =	sld [smem:$0x3F9E];
	_ =	swait.ge [sflag:s4], $0x0  }
0x19: {  	s7 =	sld [smem:$0x3F9F]  }
0x1a: {  	s8 =	sadd.s32 $0xFFFFE003, lr  }
0x1b: {  	s9 =	sadd.s32 $0xFFFFFEF7, lr;
	s5 =	simm.s32 $0xFFFFFFFF;
	p2 =	slt.u32 s8, $0xFFFFF086  }
0x1c: {  	p1 =	slt.u32 s9, $0xF7A;
	s5 =	simm.s32 @!p2 $0x0  }
0x1d: {  	s5 =	simm.s32 @p1 $0x1;
	p0 =	seq.s32 s7, s2  }
0x1e: {  	s7 =	smul.u32 @!p0 $0xF7A, s2;
	p2 =	seq.s32 @!p0 s5, $0x0  }
0x1f: {  	s9 =	smul.u32 $0xF7A, s1;
	s8 =	simm.s32 @!p0 $0x1BF5;
	p2 =	por !p2, p0  }
0x20: {  	[sflag:s8] =	ssyncset.s32 @!p0 $0xFFFFF086;
	s6 =	sadd.s32 @!p0 s3, s7;
	s7 =	simm.s32 @!p0 $0x108  }
0x21: {  	s3 =	sadd.s32 s3, s9;
	s6 =	sadd.s32 @!p0 $0x88, s6;
	s7 =	simm.s32 @p2 $0x1082  }
0x22: {  	[simem:s7], [sflag:s8] =	dma.local @!p0 [hbm:s6], $0xF7A  }
0x23: {  	s9 =	sor.u32 $0xD0000000, s2;
	s6 =	simm.s32 $0x108;
	_ =	swait.ge @!p0 [sflag:s8], $0x0  }
0x24: {  	s3 =	sadd.s32 $0x88, s3;
	s6 =	simm.s32 @!p1 $0x1082;
	[sflag:s4] =	ssyncset.s32 $0xFFFFF086  }
0x25: {  	[simem:s6], [sflag:s4] =	dma.local [hbm:s3], $0xF7A  }
0x26: {  	[smem:$0x3F9F] =	sst s1;
	(tag) =	ssettag s2;
	_ =	strace s9  }
0x27: {  	s1 =	sld [smem:$0x3FAF]  }
0x28: {  	s2 =	sld [smem:$0x3FB0]  }
0x29: {  	s4 =	sld [smem:$0x3FB2]  }
0x2a: {  	p0 =	seq.s32 s5, $0x0;
	s5 =	sld [smem:$0x3FB3]  }
0x2b: {  	s6 =	sld [smem:$0x3FB4]  }
0x2c: {  	s7 =	sld [smem:$0x3FB5]  }
0x2d: {  	s3 =	simm.s32 $0x108;
	s8 =	sld [smem:$0x3FB6]  }
0x2e: {  	s3 =	simm.s32 @!p0 $0x1082;
	s9 =	sld [smem:$0x3FB7]  }
0x2f: {  	lr =	sadd.s32 s0, s3;
	s0 =	sld [smem:$0x3FAE]  }
0x30: {  	s3 =	sld [smem:$0x3FB1]  }
0x31: {  	[smem:$0x3FBA] =	sst s10  }
0x32: {  	s10 =	sld [smem:$0x3FB8];
	_ =	sdelay $0x3  }
0x33: {  	p0 =	seq.s32 s10, $0x1;
	s10 =	sld [smem:$0x3FBA];
	_ =	sdelay $0x3  }
0x34: {  	[smem:$0x3FBA] =	sst s10  }
0x35: {  	s10 =	sld [smem:$0x3FB9];
	_ =	sdelay $0x3  }
0x36: {  	p1 =	seq.s32 s10, $0x1;
	s10 =	sld [smem:$0x3FBA];
	_ =	sdelay $0x3  }
0x37: {  	[smem:$0x3FBA] =	sst s10  }
0x38: {  	s10 =	sld [smem:$0x3FBB]  }
0x39: {  	_ = 	snop;
	(pc) =	sbr.ind lr, $3  }
0x3a: {  	_ = 	snop  }
0x3b: {  	_ = 	snop  }
0x3c: {  	p2 =	seq.s32 s10, $0x1;
	s10 =	sld [smem:$0x3FBA]  }
0x3d: {  	_ =	shalt  }
0x3e: {  	_ =	shalt  }
0x3f: {  	_ =	shalt  }
0x40: {  	_ =	shalt  }
0x41: {  	_ =	shalt  }
0x42: {  	_ =	shalt  }
0x43: {  	_ =	shalt  }
0x44: {  	_ =	shalt  }
0x45: {  	_ =	shalt  }
0x46: {  	_ =	shalt  }
0x47: {  	_ =	shalt  }
0x48: {  	_ =	shalt  }
0x49: {  	_ =	shalt  }
0x4a: {  	_ =	shalt  }
0x4b: {  	_ =	shalt  }
0x4c: {  	_ =	shalt  }
0x4d: {  	_ =	shalt  }
0x4e: {  	_ =	shalt  }
0x4f: {  	_ =	shalt  }
0x50: {  	_ =	shalt  }
0x51: {  	_ =	shalt  }
0x52: {  	_ =	shalt  }
0x53: {  	_ =	shalt  }
0x54: {  	_ =	shalt  }
0x55: {  	_ =	shalt  }
0x56: {  	_ =	shalt  }
0x57: {  	_ =	shalt  }
0x58: {  	_ =	shalt  }
0x59: {  	_ =	shalt  }
0x5a: {  	_ =	shalt  }
0x5b: {  	_ =	shalt  }
0x5c: {  	_ =	shalt  }
0x5d: {  	_ =	shalt  }
0x5e: {  	_ =	shalt  }
0x5f: {  	_ =	shalt  }
0x60: {  	_ =	shalt  }
0x61: {  	_ =	shalt  }
0x62: {  	_ =	shalt  }
0x63: {  	_ =	shalt  }
0x64: {  	_ =	shalt  }
0x65: {  	_ =	shalt  }
0x66: {  	_ =	shalt  }
0x67: {  	_ =	shalt  }
0x68: {  	_ =	shalt  }
0x69: {  	_ =	shalt  }
0x6a: {  	_ =	shalt  }
0x6b: {  	_ =	shalt  }
0x6c: {  	_ =	shalt  }
0x6d: {  	_ =	shalt  }
0x6e: {  	_ =	shalt  }
0x6f: {  	_ =	shalt  }
0x70: {  	_ =	shalt  }
0x71: {  	_ =	shalt  }
0x72: {  	_ =	shalt  }
0x73: {  	_ =	shalt  }
0x74: {  	_ =	shalt  }
0x75: {  	_ =	shalt  }
0x76: {  	_ =	shalt  }
0x77: {  	_ =	shalt  }
0x78: {  	_ =	shalt  }
0x79: {  	_ =	shalt  }
0x7a: {  	_ =	shalt  }
0x7b: {  	_ =	shalt  }
0x7c: {  	_ =	shalt  }
0x7d: {  	_ =	shalt  }
0x7e: {  	_ =	shalt  }
0x7f: {  	_ =	shalt  }
0x80: {  	_ =	shalt  }
0x81: {  	_ =	shalt  }
0x82: {  	_ =	shalt  }
0x83: {  	_ =	shalt  }
0x84: {  	_ =	shalt  }
0x85: {  	_ =	shalt  }
0x86: {  	_ =	shalt  }
0x87: {  	_ =	shalt  }
.Lfunc_end0:
.L_simem_size_0:
called_computation_lowered:
.L_overlay_start_0:
0x88: {  	s2 =	sld [smem:$0x3FD9]  }
0x89: {  	s3 =	sld [smem:$0x3FFE];
	_ =	sdelay $0x1  }
0x8a: {  	s1 =	srdreg.scid  }
0x8b: {  	s0 =	sand.u32 $0x1, s1  }
0x8c: {  	s14 =	sshll.u32 s0, $0xA;
	s2 =	sadd.s32 s3, s2  }
0x8d: {  	s2 =	sadd.s32 s2, s14  }
0x8e: {  	[smem:$0x3FC6] =	sst s2  }
0x8f: {  	_ = 	snop  }
0x90: {  	s2 =	sld [smem:$0x3FD0];
	_ =	sdelay $0x2  }
0x91: {  	s4 =	simm.s32 $0xA;
	s5 =	simm.s32 $0x10;
	s15 =	sld [smem:$0x3FC9]  }
0x92: {  	[smem:s5], [sflag:s4] =	dma.local [hbm:s2], $0x1  }
0x93: {  	_ =	swait.eq [sflag:s4], $0x1  }
0x94: {  	[sflag:s4] =	ssyncset.done $0x0  }
0x95: {  	s16 =	sld [smem:$0x10];
	[sflag:s4] =	ssyncadd.s32 $0xFFFFFFFF  }
0x96: {  	s17 =	sld [smem:$0x11];
	(tm) =	ssettm $0x1  }
0x97: {  	s18 =	sld [smem:$0x3FFB];
	_ =	sdelay $0x3  }
0x98: {  	_ =	strace s18  }
0x99: {  	s5 =	sld [smem:$0x3FFC];
	_ =	sdelay $0x3  }
0x9a: {  	_ =	strace s5  }
0x9b: {  	s5 =	sld [smem:$0x3FFD];
	_ =	sdelay $0x3  }
0x9c: {  	_ =	strace s5  }
0x9d: {  	_ =	strace $0x8FFFFFFF  }
0x9e: {  	s19 =	sld [smem:$0x3FDB];
	_ =	sdelay $0x1  }
0x9f: {  	s6 =	simm.s32 $_scs_section_size  }
0xa0: {  	s7 =	simm.s32 $_size__tile_overlayer_lowered;
	s8 =	simm.s32 $_tile_overlayer_lowered  }
0xa1: {  	s22 =	simm.s32 $0x1BFF;
	s21 =	sshll.u32 s8, $0x1;
	s5 =	sadd.s32 s6, s19  }
0xa2: {  	s9 =	simm.s32 $0x0;
	s20 =	sshll.u32 s7, $0x1;
	s7 =	sadd.s32 s21, s5  }
0xa3: {  	[timem:s9], [sflag:s22] =	dma.local [hbm:s7], s20  }
0xa4: {  	_ =	swait.ge [sflag:s22], s20  }
0xa5: {  	s6 =	ssub.s32 $0x0, s20;
	[sflag:s22] =	ssyncset.done $0x0  }
0xa6: {  	[sflag:s22] =	ssyncadd.s32 s6;
	_ =	sdelay $0x1  }
0xa7: {  	s23 =	simm.s32 $0x1B8B  }
0xa8: {  	_ =	swait.ge [sflag:s23], $0x1  }
0xa9: {  	[sflag:s23] =	ssyncset.done $0x0  }
0xaa: {  	s25 =	simm.s32 $0x1B8E;
	s24 =	sld [smem:$0x3FFE];
	[sflag:s23] =	ssyncadd.s32 $0xFFFFFFFF  }
0xab: {  	s26 =	simm.s32 $execute0_lowered;
	[smem:$0x3FD2] =	sst s25  }
0xac: {  	s7 =	sshll.u32 s26, $0x1;
	_ =	strace $0x80000046;
	[dreg:$0x1] =	wrdreg $0xFFFFFFFF  }
0xad: {  	s28 =	simm.s32 $_size_execute0_lowered;
	s5 =	sadd.s32 s5, s7;
	[dreg:$0x0] =	wrdreg $0x0  }
0xae: {  	s7 =	sshll.u32 s28, $0x1;
	[dreg:$0x2] =	wrdreg s5  }
0xaf: {  	[dreg:$0x3] =	wrdreg s7  }
0xb0: {  	[dreg:$0x4] =	wrdreg $0xC0  }
0xb1: {  	_ =	task [dreg:s9], $0x5FFFF  }
0xb2: {  	[dreg:$0x1] =	wrdreg $0xFFFFFFFF  }
0xb3: {  	[dreg:$0x0] =	wrdreg $0x60  }
0xb4: {  	[dreg:$0x2] =	wrdreg s24  }
0xb5: {  	[dreg:$0x3] =	wrdreg s15  }
0xb6: {  	[dreg:$0x4] =	wrdreg s16  }
0xb7: {  	[dreg:$0x5] =	wrdreg s17  }
0xb8: {  	[dreg:$0x6] =	wrdreg $0x9  }
0xb9: {  	_ =	task.clear_ibuf [dreg:s9], $0x7FFFF;
	_ =	strace $0x90000046  }
0xba: {  	s29 =	simm.s32 $0x9;
	_ =	strace $0x80000051  }
0xbb: {  	_ =	swait.ge [sflag:s29], $0x1  }
0xbc: {  	[sflag:s29] =	ssyncadd.s32 $0xFFFFFFFF  }
0xbd: {  	_ =	strace $0x90000051  }
0xbe: {  	_ =	sfence  }
0xbf: {  	s30 =	sld [smem:$0x0];
	_ =	sdelay $0x2  }
0xc0: {  	s31 =	sshll.u32 s1, $0xD;
	s1 =	sshrl.u32 s1, $0x2  }
0xc1: {  	s3 =	sand.u32 $0x4000, s31;
	s1 =	sadd.s32 s1, s30  }
0xc2: {  	s0 =	sor.u32 s3, s0;
	s1 =	sshll.u32 s1, $0x11  }
0xc3: {  	s0 =	sor.u32 s1, s0  }
0xc4: {  	s0 =	sadd.s32 $0x8F2B, s0  }
0xc5: {  	[sflag:s0] =	ssyncadd.remote.s32 $0x1  }
0xc6: {  	_ =	sfence.sel $0xFFFF  }
0xc7: {  	[dreg:$0x0] =	wrdreg $0xFFFFFFFF;
	(pc) =	sbr.abs _section_cstart, $3  }
0xc8: {  	[dreg:$0x1] =	wrdreg $0xFFFFFFFF  }
0xc9: {  	_ =	task.clear_ibuf [dreg:s9], $0x2FFFF;
	_ =	strace $0x9FFFFFFF  }
0xca: {  	(tm) =	ssettm $0x7FFFFFFF  }
0xcb: {  	_ =	shalt  }
tec
execute0_lowered:
.L_overlay_start_1:
0x0: {  	(tag) =	ssettag $0x1  }
0x1: {  	s3 =	rddreg [dreg:$0x0];
	s5 =	simm.s32 $0x0  }
0x2: {  	[smem:$0x7FF] =	sst s5  }
0x3: {  	s2 =	rddreg [dreg:$0x1];
	v0 =	vimm.f32 $1.000000050e-03;
	_ =	strace $0x80000047  }
0x4: {  	(erf) = vrcp.f32 v0;
	_ =	sdelay $0x1  }
0x5: {  	s0 =	srdreg.scid  }
0x6: {  	s4 =	stileid.u32;
	s12 =	simm.s32 $0x400;
	s0 =	sand.u32 $0x1, s0  }
0x7: {  	s13 =	simm.s32 $0x800;
	s15 =	simm.s32 $0x2800;
	s1 =	sshll.u32 s0, $0x4  }
0x8: {  	s16 =	simm.s32 $0x4800;
	s0 =	ssub.s32 $0x2, s0;
	s1 =	sor.u32 s4, s1  }
0x9: {  	s3 =	sadd.s32 $0x200, s3;
	s30 =	sshrl.u32 s0, $0x1;
	s4 =	sshll.u32 s1, $0xF  }
0xa: {  	[dreg:$0x5] =	wrdreg s3;
	s0 =	ssub.s32 s0, s30;
	s31 =	sadd.s32 s2, s4  }
0xb: {  	s17 =	simm.s32 $0x6800;
	s0 =	smax.u32 s0, $0x1;
	[dreg:$0x6] =	wrdreg s31  }
0xc: {  	v1 =	vimm.s32 $0x0;
	v2 =	vimm.s32 $0x1;
	s18 =	simm.s32 $0x0;
	s8 =	sshll.u32 s1, $0x5;
	[dreg:$0x7] =	wrdreg s0;
	v0 =	vpop (erf)  }
.LBB2_1:
0xd: {  	s0 =	rddreg [dreg:$0x5];
	s1 =	simm.s32 $0x1  }
0xe: {  	[tilespmem:s5], [sflag:$0x1] =	stream.linear.gather [hbm4b:s0+s5], $0x400, $0x38;
	[tilespmem:$0x14800] =	vst v63  }
0xf: {  	_ =	swait.ge [sflag:s1], $0x400  }
0x10: {  	[sflag:s1] =	ssyncset.done $0x0  }
0x11: {  	[sflag:s1] =	ssyncadd.s32 $0xFFFFFC00  }
0x12: {  	s31 =	rddreg [dreg:$0x0]  }
0x13: {  	[tilespmem:s12], [sflag:$0x1] =	stream.linear.gather [hbm4b:s31+s5], $0x400, $0x38;
	[tilespmem:$0x14800] =	vst v63  }
0x14: {  	_ =	swait.ge [sflag:s1], $0x400  }
0x15: {  	[sflag:s1] =	ssyncset.done $0x0  }
0x16: {  	s0 =	simm.s32 $0x40;
	[sflag:s1] =	ssyncadd.s32 $0xFFFFFC00;
	s1 =	simm.s32 $0x0  }
.LBB2_2:
0x17: {  	p0 =	sne.s32 s0, $0x7FC0;
	[tilespmem:s1+$0x800] =	vst v1;
	s1 =	smov.u32 s0;
	s0 =	sadd.s32 $0x40, s0  }
.Ltmp0:
0x18: {  	(pc) =	sbr.rel @p0 .LBB2_2-.Ltmp0, $2  }
0x19: {  	_ =	sdelay $0x2  }
0x1a: {  	s1 =	sshra.s32 s1, $0x2  }
0x1b: {  	[tilespmem:s1+$0x800] =	vst v1;
	s0 =	simm.s32 $0x0;
	s3 =	simm.s32 $0x0;
	s1 =	simm.s32 $0x40  }
.LBB2_4:
0x1c: {  	p0 =	sne.s32 s1, $0xF80;
	v3 =	vld [tilespmem:s3+$0x0];
	_ =	sdelay $0x4  }
0x1d: {  	v3 =	vmul.f32 $8.192000000e+03, v3;
	_ =	sdelay $0x1  }
0x1e: {  	v3 =	vmin.f32 v3, $1.638400000e+04  }
0x1f: {  	v4 =	vtrunc.f32 v3  }
0x20: {  	vm0 =	vlt.f32 v3, v4;
	vm1 =	vgt.f32 v3, v4  }
0x21: {  	v3 =	vcvt.f32.s32 v4;
	vm0 =	vmor vm1, vm0  }
0x22: {  	v4 =	vsel vm0, $0x1, v1  }
0x23: {  	v3 =	vadd.s32 v3, v4  }
0x24: {  	vm0 =	vlt.s32 v3, $0x2000;
	vm1 =	vlt.s32 v3, $0x1FFF  }
0x25: {  	v3 =	vnsel vm1, $0x1FFF, v3  }
.Ltmp1:
0x26: {  	(pc) =	sbr.rel @p0 .LBB2_4-.Ltmp1, $2  }
0x27: {  	_ =	sdelay $0x2  }
0x28: {  	s3 =	sshra.s32 s1, $0x2;
	s1 =	sadd.s32 $0x40, s1;
	[tilespmem:v3+s13+$0x0] =	vst.idx.add.s32.msk vm0, v2  }
0x29: {  	v3 =	vld [tilespmem:s3+$0x0];
	_ =	sdelay $0x4  }
0x2a: {  	v3 =	vmul.f32 $8.192000000e+03, v3;
	_ =	sdelay $0x1  }
0x2b: {  	v3 =	vmin.f32 v3, $1.638400000e+04  }
0x2c: {  	v4 =	vtrunc.f32 v3  }
0x2d: {  	vm0 =	vlt.f32 v3, v4;
	vm1 =	vgt.f32 v3, v4  }
0x2e: {  	v3 =	vcvt.f32.s32 v4;
	vm0 =	vmor vm1, vm0  }
0x2f: {  	v4 =	vsel vm0, $0x1, v1  }
0x30: {  	v3 =	vadd.s32 v3, v4  }
0x31: {  	vm14 =	vlt.s32 v3, $0x2000;
	vm15 =	vlt.s32 v3, $0x1FFF  }
0x32: {  	v3 =	vnsel vm15, $0x1FFF, v3;
	_ =	sdelay $0x4  }
0x33: {  	s1 =	simm.s32 $0x0;
	[tilespmem:v3+s13+$0x0] =	vst.idx.add.s32.msk vm14, v2  }
0x34: {  	v3 =	vld [tilespmem:s1+$0x800];
	_ =	sdelay $0x4  }
0x35: {  	(xrf0) =	vadd.scan.msk.s32 $0xffff, v3;
	_ =	sdelay $0x5  }
0x36: {  	v3, _, _ =	vpop (xrf0)  }
0x37: {  	v4 =	vadd.s32 s0, v3  }
0x38: {  	(v2sf) =	vpush v3, $0xF;
	v3 =	vadd.s32 $0xFFFFFFFF, v4;
	_ =	sdelay $0x2  }
0x39: {  	s0 =	simm.s32 $0x10;
	[tilespmem:s1+$0x800] =	vst v3  }
0x3a: {  	v5 =	vld [tilespmem:s0+$0x800]  }
0x3b: {  	v3 =	vld.idx.msk [tilespmem:v3+s5+$0x0], $0xffff;
	_ =	sdelay $0x4  }
0x3c: {  	(xrf0) =	vadd.scan.msk.s32 $0xffff, v5;
	[tilespmem:s1+$0x4800] =	vst v3  }
0x3d: {  	v3 =	vld.idx.msk [tilespmem:v4+s5+$0x0], $0xffff  }
0x3e: {  	v4 =	vadd.s32 $0x1, v4;
	_ =	sdelay $0x2  }
0x3f: {  	s31 =	spop (v2sf)  }
0x40: {  	v6, _, _ =	vpop (xrf0);
	s3 =	sadd.s32 $0x0, s31;
	[tilespmem:s1+$0x2800] =	vst v3  }
0x41: {  	(v2sf) =	vpush v6, $0xF;
	v3 =	vadd.s32 s3, v6;
	v4 =	vld.idx.msk [tilespmem:v4+s5+$0x0], $0xffff  }
0x42: {  	v5 =	vadd.s32 $0xFFFFFFFF, v3  }
0x43: {  	s4 =	simm.s32 $0x80;
	[tilespmem:s0+$0x800] =	vst v5  }
.LBB2_6:
0x44: {  	_ =	sdelay $0x1  }
0x45: {  	p0 =	sne.s32 s4, $0x7FC0;
	s6 =	smov.u32 s4;
	s4 =	sadd.s32 $0x40, s4;
	[tilespmem:s1+$0x6800] =	vst v4  }
0x46: {  	s1 =	smov.u32 s0;
	v4 =	vld.idx.msk [tilespmem:v5+s5+$0x0], $0xffff;
	_ =	sdelay $0x1  }
0x47: {  	s0 =	sshra.s32 s6, $0x2  }
0x48: {  	v5 =	vld [tilespmem:s0+$0x800];
	_ =	sdelay $0x2  }
0x49: {  	[tilespmem:s1+$0x4800] =	vst v4  }
0x4a: {  	v4 =	vld.idx.msk [tilespmem:v3+s5+$0x0], $0xffff  }
0x4b: {  	(xrf0) =	vadd.scan.msk.s32 $0xffff, v5  }
0x4c: {  	v3 =	vadd.s32 $0x1, v3;
	s6 =	spop (v2sf)  }
0x4d: {  	s3 =	sadd.s32 s3, s6;
	_ =	sdelay $0x2  }
.Ltmp2:
0x4e: {  	[tilespmem:s1+$0x2800] =	vst v4;
	(pc) =	sbr.rel @p0 .LBB2_6-.Ltmp2, $4  }
0x4f: {  	v5, _, _ =	vpop (xrf0);
	v4 =	vld.idx.msk [tilespmem:v3+s5+$0x0], $0xffff  }
0x50: {  	v3 =	vadd.s32 s3, v5;
	(v2sf) =	vpush v5, $0xF  }
0x51: {  	v5 =	vadd.s32 $0xFFFFFFFF, v3  }
0x52: {  	[tilespmem:s0+$0x800] =	vst v5  }
0x53: {  	_ =	sdelay $0x2  }
0x54: {  	[tilespmem:s1+$0x6800] =	vst v4  }
0x55: {  	v4 =	vld.idx.msk [tilespmem:v5+s5+$0x0], $0xffff;
	_ =	sdelay $0x4  }
0x56: {  	[tilespmem:s0+$0x4800] =	vst v4  }
0x57: {  	v4 =	vld.idx.msk [tilespmem:v3+s5+$0x0], $0xffff  }
0x58: {  	v3 =	vadd.s32 $0x1, v3;
	_ =	sdelay $0x3  }
0x59: {  	[tilespmem:s0+$0x2800] =	vst v4  }
0x5a: {  	v3 =	vld.idx.msk [tilespmem:v3+s5+$0x0], $0xffff;
	_ =	sdelay $0x3  }
0x5b: {  	s20 =	simm.s32 $0x0  }
0x5c: {  	s21 =	simm.s32 $0x1;
	s19 =	simm.s32 $0x0;
	s30 =	spop (v2sf);
	[tilespmem:s0+$0x6800] =	vst v3  }
0x5d: {  	s22 =	simm.s32 $0x0;
	s6 =	simm.s32 $0x0;
	_ =	strace $0x80000048  }
0x5e: {  	s23 =	simm.s32 $0x0;
	s1 =	simm.s32 $0x8800;
	s31 =	rddreg [dreg:$0x6]  }
0x5f: {  	[tilespmem:s1], [sflag:$0x1] =	stream.linear.gather [hbm4b:s31+s20], $0x2000, $0x200038;
	[tilespmem:$0x14800] =	vst v63  }
0x60: {  	s24 =	simm.s32 $0x0;
	s25 =	simm.s32 $0x0;
	_ =	strace $0x90000048  }
.LBB2_8:
0x61: {  	s26 =	smov.u32 s20;
	s20 =	sadd.s32 $0x1, s20  }
0x62: {  	p0 =	seq.s32 s20, $0x20  }
0x63: {  	s20 =	simm.s32 @p0 $0x0  }
0x64: {  	p1 =	sne.s32 s25, $0x1F;
	p0 =	sne.s32 s26, s20  }
0x65: {  	p0 =	por !p1, !p0  }
0x66: {  	p0 =	por !p0, !p0  }
0x67: {  	s1 =	sadd.s32 @p0 s8, s20  }
0x68: {  	s0 =	sand.u32 @p0 $0x1, s21;
	_ =	strace @p0 $0x80000049;
	s1 =	sshll.u32 @p0 s1, $0xA  }
0x69: {  	s4 =	simm.s32 @p0 $0x0;
	s3 =	sshll.u32 @p0 s0, $0xD;
	s1 =	sand.u32 @p0 $0x1FFFFC00, s1  }
0x6a: {  	s0 =	sadd.s32 @p0 $0x1, s0;
	s3 =	sor.u32 @p0 $0x8800, s3;
	s1 =	sadd.s32 @p0 s2, s1  }
0x6b: {  	[tilespmem:s3], [sflag:s0] =	stream.linear.gather @p0 [hbm4b:s1+s4], $0x2000, $0x200038;
	[tilespmem:$0x14800] =	vst v63  }
0x6c: {  	s4 =	sand.u32 $0x1, s24;
	_ =	strace @p0 $0x90000049  }
0x6d: {  	s7 =	sadd.s32 $0x1, s4;
	_ =	strace $0x8000004A  }
0x6e: {  	_ =	swait.ge [sflag:s7], $0x2000  }
0x6f: {  	[sflag:s7] =	ssyncset.done $0x0  }
0x70: {  	[sflag:s7] =	ssyncadd.s32 $0xFFFFE000  }
0x71: {  	s0 =	sshll.u32 s4, $0xD;
	_ =	strace $0x9000004A  }
0x72: {  	s0 =	sor.u32 $0x8820, s0;
	_ =	strace $0x8000004B  }
0x73: {  	v3 =	vld [tilespmem:s0+$0xFFFFFFE0];
	_ =	sdelay $0x2  }
0x74: {  	v5 =	vld [tilespmem:s0+$0x10];
	_ =	sdelay $0x1  }
0x75: {  	v4 =	vmul.f32 $8.192000000e+03, v3  }
0x76: {  	v8 =	vld [tilespmem:s0+$0xFFFFFFF0]  }
0x77: {  	v4 =	vtrunc.f32 v4  }
0x78: {  	v6 =	vmul.f32 $8.192000000e+03, v5;
	v4 =	vcvt.f32.s32 v4;
	_ =	sdelay $0x1  }
0x79: {  	v6 =	vtrunc.f32 v6  }
0x7a: {  	v10 =	vmul.f32 $8.192000000e+03, v8;
	v6 =	vcvt.f32.s32 v6  }
0x7b: {  	v12 =	vld [tilespmem:s0+$0x0];
	s0 =	sadd.s32 $0x40, s0  }
0x7c: {  	v15 =	vtrunc.f32 v10;
	v10 =	vld [tilespmem:s0+$0xFFFFFFE0]  }
0x7d: {  	v7 =	vld.idx.msk [tilespmem:v4+s15+$0x0], $0xffff  }
0x7e: {  	v9 =	vld.idx.msk [tilespmem:v4+s17+$0x0], $0xffff  }
0x7f: {  	v11 =	vld.idx.msk [tilespmem:v4+s16+$0x0], $0xffff  }
0x80: {  	v13 =	vld.idx.msk [tilespmem:v6+s15+$0x0], $0xffff  }
0x81: {  	v14 =	vld.idx.msk [tilespmem:v6+s16+$0x0], $0xffff  }
0x82: {  	v16 =	vcvt.f32.s32 v15;
	v15 =	vld.idx.msk [tilespmem:v6+s17+$0x0], $0xffff;
	_ =	sdelay $0x1  }
0x83: {  	v4 =	vld.idx.msk [tilespmem:v4+s13+$0x0], $0xffff  }
0x84: {  	v17 =	vld [tilespmem:s0+$0x10];
	v19 =	vmul.f32 $8.192000000e+03, v10;
	vm1 =	vge.f32 v3, v7;
	vm0 =	vge.f32 v5, v13  }
0x85: {  	v11 =	vsel vm1, v7, v11;
	v7 =	vsel vm1, v9, v7;
	v14 =	vsel vm0, v13, v14  }
0x86: {  	v13 =	vsel vm0, v15, v13;
	v15 =	vtrunc.f32 v19;
	v7 =	vsub.f32 v7, v11  }
0x87: {  	v21 =	vld [tilespmem:s0+$0x0];
	v9 =	vmul.f32 $8.192000000e+03, v12;
	v18 =	vsel vm1, $0x1, v1;
	v15 =	vcvt.f32.s32 v15  }
0x88: {  	v4 =	vadd.s32 v18, v4;
	v18 =	vld.idx.msk [tilespmem:v16+s15+$0x0], $0xffff;
	v13 =	vsub.f32 v13, v14;
	(erf) = vrcp.f32 v7  }
0x89: {  	v20 =	vmul.f32 $8.192000000e+03, v17;
	v9 =	vtrunc.f32 v9;
	v7 =	vld [tilespmem:s0+$0xFFFFFFF0]  }
0x8a: {  	v9 =	vcvt.f32.s32 v9;
	(erf) = vrcp.f32 v13;
	v13 =	vld.idx.msk [tilespmem:v16+s13+$0x0], $0xffff  }
0x8b: {  	v24 =	vld.idx.msk [tilespmem:v6+s13+$0x0], $0xffff;
	v4 =	vcvt.s32.f32 v4  }
0x8c: {  	v6 =	vtrunc.f32 v20;
	v19 =	vld.idx.msk [tilespmem:v16+s16+$0x0], $0xffff  }
0x8d: {  	v25 =	vcvt.f32.s32 v6;
	v23 =	vadd.f32 $1.000000000e+00, v4;
	vm1 =	vge.f32 v8, v18;
	v26 =	vld.idx.msk [tilespmem:v15+s15+$0x0], $0xffff  }
0x8e: {  	v5 =	vsub.f32 v5, v14;
	v14 =	vsel vm1, $0x1, v1;
	v30 =	vld.idx.msk [tilespmem:v15+s16+$0x0], $0xffff;
	v22 =	vmul.f32 $8.192000000e+03, v7  }
0x8f: {  	v4 =	vmul.f32 $1.000000050e-03, v4;
	v20 =	vmul.f32 $1.000000050e-03, v23;
	v14 =	vadd.s32 v14, v13;
	v13 =	vld.idx.msk [tilespmem:v15+s17+$0x0], $0xffff  }
0x90: {  	v3 =	vsub.f32 v3, v11;
	v6 =	vtrunc.f32 v22;
	v22 =	vld.idx.msk [tilespmem:v9+s15+$0x0], $0xffff  }
0x91: {  	v27 =	vmul.f32 $8.192000000e+03, v21;
	v19 =	vsel vm1, v18, v19;
	v20 =	vsub.f32 v20, v4;
	v23 =	vld.idx.msk [tilespmem:v9+s17+$0x0], $0xffff;
	v11 =	vpop (erf)  }
0x92: {  	v28 =	vld.idx.msk [tilespmem:v9+s16+$0x0], $0xffff;
	vm2 =	vge.f32 v10, v26;
	v3 =	vmul.f32 v11, v3;
	v11 =	vsel vm0, $0x1, v1  }
0x93: {  	v6 =	vcvt.f32.s32 v6;
	v30 =	vsel vm2, v26, v30;
	v11 =	vadd.s32 v11, v24  }
0x94: {  	v32 =	vld.idx.msk [tilespmem:v25+s16+$0x0], $0xffff;
	v24 =	vsub.f32 v8, v19;
	v13 =	vsel vm2, v13, v26;
	v3 =	vmul.f32 v20, v3  }
0x95: {  	v15 =	vld.idx.msk [tilespmem:v15+s13+$0x0], $0xffff;
	v8 =	vpop (erf);
	v11 =	vcvt.s32.f32 v11;
	v20 =	vtrunc.f32 v27;
	vm0 =	vge.f32 v12, v22  }
0x96: {  	v9 =	vld.idx.msk [tilespmem:v9+s13+$0x0], $0xffff;
	v5 =	vmul.f32 v8, v5;
	v13 =	vsub.f32 v13, v30;
	v27 =	vcvt.f32.s32 v20  }
0x97: {  	v20 =	vld.idx.msk [tilespmem:v25+s15+$0x0], $0xffff;
	v8 =	vsel vm0, v22, v28;
	v22 =	vsel vm0, v23, v22;
	v3 =	vadd.f32 v3, v4  }
0x98: {  	s4 =	sadd.s32 $0x40, s0;
	v28 =	vld.idx.msk [tilespmem:v25+s17+$0x0], $0xffff;
	v4 =	vadd.f32 $1.000000000e+00, v11;
	v22 =	vsub.f32 v22, v8  }
0x99: {  	v29 =	vmul.f32 $1.000000050e-03, v11;
	v33 =	vsub.f32 v12, v8;
	v8 =	vld [tilespmem:s4+$0xFFFFFFF0];
	v31 =	vmul.f32 v3, v0  }
0x9a: {  	v12 =	vsel vm2, $0x1, v1;
	v4 =	vmul.f32 $1.000000050e-03, v4;
	(erf) = vrcp.f32 v22  }
0x9b: {  	vm1 =	vmmov vm1;
	v25 =	vld.idx.msk [tilespmem:v25+s13+$0x0], $0xffff;
	v12 =	vadd.s32 v12, v15;
	(erf) = vrcp.f32 v13  }
0x9c: {  	v15 =	vld [tilespmem:s4+$0x10];
	v23 =	vtrunc.f32 v31;
	v31 =	vsel vm0, $0x1, v1;
	v4 =	vsub.f32 v4, v29  }
0x9d: {  	v11 =	vld.idx.msk [tilespmem:v6+s15+$0x0], $0xffff;
	vm3 =	vge.f32 v17, v20;
	v23 =	vcvt.f32.s32 v23;
	v31 =	vadd.s32 v31, v9  }
0x9e: {  	v9 =	vld [tilespmem:s4+$0xFFFFFFE0];
	v22 =	vsel vm3, v20, v32;
	v20 =	vsel vm3, v28, v20;
	v28 =	vmul.f32 $8.192000000e+03, v8  }
0x9f: {  	v26 =	vcvt.s32.f32 v31;
	v31 =	vld.idx.msk [tilespmem:v6+s16+$0x0], $0xffff;
	v4 =	vmul.f32 v4, v5;
	v20 =	vsub.f32 v20, v22  }
0xa0: {  	v5 =	vld [tilespmem:s4+$0x0];
	v35 =	vsub.f32 v17, v22;
	v17 =	vsel vm3, $0x1, v1;
	v22 =	vcvt.s32.f32 v12  }
0xa1: {  	v25 =	vadd.s32 v17, v25;
	v17 =	vmul.f32 $8.192000000e+03, v15;
	v13 =	vadd.f32 $1.000000000e+00, v26  }
0xa2: {  	v4 =	vadd.f32 v4, v29;
	v29 =	vmul.f32 $1.000000050e-03, v26;
	(erf) = vrcp.f32 v20  }
0xa3: {  	vm2 =	vge.f32 v7, v11;
	v20 =	vld.idx.msk [tilespmem:v16+s17+$0x0], $0xffff;
	v57 =	vmul.f32 $1.000000050e-03, v22;
	v25 =	vcvt.s32.f32 v25  }
0xa4: {  	v56 =	vadd.f32 $1.000000000e+00, v22;
	v26 =	vmul.f32 $1.000000050e-03, v13;
	v34 =	vmul.f32 $8.192000000e+03, v9  }
0xa5: {  	v54 =	vld.idx.msk [tilespmem:v6+s13+$0x0], $0xffff;
	v59 =	vadd.f32 $1.000000000e+00, v25;
	v13 =	vsel vm2, v11, v31;
	v16 =	vmul.f32 $8.192000000e+03, v5  }
0xa6: {  	v31 =	vsub.f32 v26, v29;
	v26 =	vcvt.s32.f32 v14;
	v14 =	vtrunc.f32 v28  }
0xa7: {  	v12 =	vtrunc.f32 v34;
	v28 =	vsel vm2, $0x1, v1;
	v34 =	vmul.f32 $1.000000050e-03, v59  }
0xa8: {  	v55 =	vtrunc.f32 v16;
	v18 =	vsel vm1, v20, v18;
	v20 =	vtrunc.f32 v17  }
0xa9: {  	v10 =	vsub.f32 v10, v30;
	v17 =	vcvt.f32.s32 v14;
	v14 =	vmul.f32 $1.000000050e-03, v56  }
0xaa: {  	v39 =	vcvt.f32.s32 v12;
	v16 =	vadd.s32 v28, v54;
	v18 =	vsub.f32 v18, v19  }
0xab: {  	v12 =	vcvt.f32.s32 v55;
	v20 =	vcvt.f32.s32 v20;
	v28 =	vpop (erf);
	v30 =	vsub.f32 v14, v57  }
0xac: {  	v22 =	vadd.f32 $1.000000000e+00, v26;
	v26 =	vmul.f32 $1.000000050e-03, v26;
	v19 =	vpop (erf);
	(erf) = vrcp.f32 v18  }
0xad: {  	vm0 =	vlt.s32 v23, $0x3E7;
	v28 =	vmul.f32 v28, v33;
	v10 =	vmul.f32 v19, v10;
	v19 =	vld.idx.msk [tilespmem:v27+s15+$0x0], $0xffff  }
0xae: {  	v36 =	vld.idx.msk [tilespmem:v27+s16+$0x0], $0xffff;
	v14 =	vsub.f32 v7, v13;
	v7 =	vmul.f32 v4, v0;
	v58 =	vmul.f32 $1.000000050e-03, v22  }
0xaf: {  	v23 =	vnsel vm0, $0x3E7, v23;
	v18 =	vld.idx.msk [tilespmem:v27+s17+$0x0], $0xffff;
	v31 =	vmul.f32 v31, v28;
	v10 =	vmul.f32 v30, v10;
	v30 =	vpop (erf)  }
0xb0: {  	v60 =	vld.idx.msk [tilespmem:v27+s13+$0x0], $0xffff;
	vm1 =	vmmov vm2;
	v22 =	vmul.f32 $1.000000050e-03, v25;
	v28 =	vmul.f32 v30, v35  }
0xb1: {  	v25 =	vld.idx.msk [tilespmem:v39+s15+$0x0], $0xffff;
	v30 =	vtrunc.f32 v7;
	v7 =	vadd.f32 v31, v29;
	v10 =	vadd.f32 v10, v57  }
0xb2: {  	v40 =	vsub.f32 v58, v26;
	v29 =	vld.idx.msk [tilespmem:v20+s15+$0x0], $0xffff;
	v27 =	vcvt.f32.s32 v30;
	vm0 =	vge.f32 v21, v19  }
0xb3: {  	s30 =	sand.u32 $0x1, s23;
	v31 =	vld.idx.msk [tilespmem:v39+s16+$0x0], $0xffff;
	v63 =	vmul.f32 v7, v0;
	v61 =	vmul.f32 v10, v0;
	v41 =	vsel vm0, v19, v36  }
0xb4: {  	s29 =	sand.u32 $0x1, s22;
	s28 =	smov.u32 s6;
	s9 =	sshll.u32 s30, $0xD;
	v33 =	vld.idx.msk [tilespmem:v20+s17+$0x0], $0xffff;
	v62 =	vsel vm0, v18, v19;
	v38 =	vsel vm0, $0x1, v1;
	v36 =	vsub.f32 v34, v22  }
0xb5: {  	s10 =	sshll.u32 s29, $0xD;
	s31 =	sadd.s32 s8, s26;
	s11 =	sor.u32 $0xC820, s9;
	v30 =	vld.idx.msk [tilespmem:v39+s17+$0x0], $0xffff;
	vm3 =	vlt.s32 v27, $0x3E7;
	v32 =	vtrunc.f32 v63;
	v18 =	vtrunc.f32 v61;
	v42 =	vpop (erf)  }
0xb6: {  	s6 =	sor.u32 $0x10800, s10;
	s1 =	sadd.s32 $0x40, s11;
	s7 =	sor.u32 $0x10820, s10;
	v35 =	vld.idx.msk [tilespmem:v20+s16+$0x0], $0xffff;
	v37 =	vsub.f32 v62, v41;
	v18 =	vcvt.f32.s32 v18;
	v24 =	vmul.f32 v42, v24  }
0xb7: {  	s3 =	simm.s32 $0x80;
	s10 =	smov.u32 s1;
	s14 =	sadd.s32 $0x40, s7;
	v19 =	vld.idx.msk [tilespmem:v17+s15+$0x0], $0xffff;
	v38 =	vadd.s32 v38, v60;
	v21 =	vsub.f32 v21, v41;
	vm4 =	vge.f32 v9, v25  }
0xb8: {  	s0 =	sor.u32 $0xC800, s9;
	s9 =	smov.u32 s14;
	s4 =	sadd.s32 $0x40, s4;
	v34 =	vld.idx.msk [tilespmem:v39+s13+$0x0], $0xffff;
	vm2 =	vge.f32 v15, v29;
	vm0 =	vlt.s32 v18, $0x3E7;
	v24 =	vmul.f32 v40, v24  }
.LBB2_9:
0xb9: {  	v39 =	vld [tilespmem:s4+$0xFFFFFFE0];
	s3 =	sadd.s32 $0x40, s3;
	v40 =	vsel vm4, $0x1, v1;
	v38 =	vcvt.s32.f32 v38;
	s14 =	sadd.s32 $0x40, s14;
	s1 =	sadd.s32 $0x40, s1;
	(erf) = vrcp.f32 v37  }
0xba: {  	v31 =	vsel vm4, v25, v31;
	v25 =	vsel vm4, v30, v25;
	v37 =	vnsel vm3, $0x3E7, v27;
	p1 =	slt.u32 s3, $0x1FC0;
	v30 =	vld.idx.msk [tilespmem:v17+s16+$0x0], $0xffff  }
0xbb: {  	v28 =	vmul.f32 v36, v28;
	v25 =	vsub.f32 v25, v31;
	v27 =	vadd.f32 v24, v26;
	v41 =	vld [tilespmem:s4+$0xFFFFFFF0]  }
0xbc: {  	v32 =	vcvt.f32.s32 v32;
	v26 =	vsel vm2, v29, v35;
	v29 =	vsel vm2, v33, v29  }
0xbd: {  	v22 =	vadd.f32 v28, v22;
	v24 =	vld [tilespmem:s4+$0x0];
	(erf) = vrcp.f32 v25;
	v25 =	vadd.f32 $1.000000000e+00, v38  }
0xbe: {  	vm3 =	vge.f32 v8, v19;
	v33 =	vmul.f32 $1.000000050e-03, v38;
	v35 =	vmul.f32 v27, v0;
	v28 =	vld.idx.msk [tilespmem:v6+s17+$0x0], $0xffff;
	v6 =	vmovc v17  }
0xbf: {  	vm4 =	vlt.s32 v32, $0x3E7;
	v34 =	vadd.s32 v40, v34;
	v20 =	vld.idx.msk [tilespmem:v20+s13+$0x0], $0xffff;
	v40 =	vmul.f32 $1.000000050e-03, v25  }
0xc0: {  	v29 =	vsub.f32 v29, v26;
	v35 =	vtrunc.f32 v35;
	v36 =	vmul.f32 $8.192000000e+03, v41;
	v23 =	vld.idx.msk [tilespmem:v23+s12+$0x0], $0xffff  }
0xc1: {  	v38 =	vmul.f32 $8.192000000e+03, v39;
	v30 =	vsel vm3, v19, v30;
	v35 =	vcvt.f32.s32 v35;
	v17 =	vld.idx.msk [tilespmem:v17+s13+$0x0], $0xffff  }
0xc2: {  	v32 =	vnsel vm4, $0x3E7, v32;
	(erf) = vrcp.f32 v29;
	v29 =	vsub.f32 v40, v33;
	v25 =	vpop (erf);
	v37 =	vld.idx.msk [tilespmem:v37+s12+$0x0], $0xffff  }
0xc3: {  	v42 =	vsub.f32 v15, v26;
	v26 =	vcvt.s32.f32 v16;
	v40 =	vmul.f32 $8.192000000e+03, v24;
	v15 =	vld [tilespmem:s4+$0x10]  }
0xc4: {  	v43 =	vsel vm2, $0x1, v1;
	vm2 =	vlt.s32 v35, $0x3E7;
	v36 =	vtrunc.f32 v36  }
0xc5: {  	v34 =	vcvt.s32.f32 v34;
	v35 =	vnsel vm2, $0x3E7, v35;
	v40 =	vtrunc.f32 v40  }
0xc6: {  	v16 =	vtrunc.f32 v38;
	v38 =	vsel vm3, $0x1, v1;
	v23 =	vmul.f32 v23, v0;
	v44 =	vpop (erf)  }
0xc7: {  	v45 =	vcvt.f32.s32 v16;
	v20 =	vadd.s32 v43, v20;
	v16 =	vadd.s32 v38, v17  }
0xc8: {  	v38 =	vadd.f32 $1.000000000e+00, v34;
	v43 =	vmul.f32 v37, v0;
	v17 =	vmul.f32 $8.192000000e+03, v15;
	[tilespmem:s11+$0xFFFFFFE0] =	vst v23;
	v23 =	vld.idx.msk [tilespmem:v32+s12+$0x0], $0xffff  }
0xc9: {  	v11 =	vsel vm1, v28, v11;
	v21 =	vmul.f32 v25, v21;
	v37 =	vcvt.f32.s32 v40;
	[tilespmem:s7+$0xFFFFFFE0] =	vst v3;
	v3 =	vmovc v10  }
0xca: {  	v28 =	vmul.f32 $1.000000050e-03, v34;
	v40 =	vsub.f32 v11, v13;
	v13 =	vmovc v30;
	v10 =	vtrunc.f32 v17;
	v34 =	vld.idx.msk [tilespmem:v35+s12+$0x0], $0xffff;
	[tilespmem:s11+$0x10] =	vst v43  }
0xcb: {  	v30 =	vadd.f32 $1.000000000e+00, v26;
	v25 =	vmul.f32 $1.000000050e-03, v38;
	v17 =	vcvt.f32.s32 v36;
	v32 =	vpop (erf);
	[tilespmem:s7+$0x10] =	vst v4  }
0xcc: {  	v31 =	vsub.f32 v9, v31;
	v9 =	vmovc v39;
	v36 =	vcvt.s32.f32 v20;
	v4 =	vmovc v22;
	v35 =	vld.idx.msk [tilespmem:v12+s17+$0x0], $0xffff;
	(erf) = vrcp.f32 v40  }
0xcd: {  	v11 =	vmovc v19;
	v39 =	vmul.f32 $1.000000050e-03, v30;
	v20 =	vcvt.f32.s32 v10;
	v10 =	vsub.f32 v25, v28;
	v38 =	vld.idx.msk [tilespmem:v12+s15+$0x0], $0xffff  }
0xce: {  	v19 =	vmul.f32 v44, v31;
	v40 =	vadd.f32 $1.000000000e+00, v36;
	v23 =	vmul.f32 v23, v0;
	v25 =	vld.idx.msk [tilespmem:v45+s15+$0x0], $0xffff  }
0xcf: {  	v43 =	vsub.f32 v8, v13;
	v8 =	vmovc v41;
	v22 =	vmul.f32 $1.000000050e-03, v36;
	v36 =	vmul.f32 v4, v0;
	v44 =	vld.idx.msk [tilespmem:v12+s16+$0x0], $0xffff  }
0xd0: {  	v10 =	vmul.f32 v10, v19;
	v19 =	vmul.f32 v34, v0;
	v41 =	vld.idx.msk [tilespmem:v12+s13+$0x0], $0xffff;
	[tilespmem:s11+$0x0] =	vst v23;
	v12 =	vmov v37  }
0xd1: {  	vm1 =	vmmov vm3;
	v21 =	vmul.f32 v29, v21;
	v26 =	vmul.f32 $1.000000050e-03, v26;
	v30 =	vld.idx.msk [tilespmem:v45+s17+$0x0], $0xffff;
	[tilespmem:s7+$0x0] =	vst v7  }
0xd2: {  	v10 =	vadd.f32 v10, v28;
	v28 =	vmul.f32 v32, v42;
	v32 =	vtrunc.f32 v36;
	v31 =	vld.idx.msk [tilespmem:v45+s16+$0x0], $0xffff;
	[tilespmem:s11+$0xFFFFFFF0] =	vst v19;
	s11 =	smov.u32 s10;
	s10 =	smov.u32 s1  }
0xd3: {  	v39 =	vsub.f32 v39, v26;
	v23 =	vnsel vm0, $0x3E7, v18;
	v7 =	vadd.f32 v21, v33;
	v29 =	vld.idx.msk [tilespmem:v20+s15+$0x0], $0xffff;
	[tilespmem:s7+$0xFFFFFFF0] =	vst v27;
	s7 =	smov.u32 s9;
	s9 =	smov.u32 s14  }
0xd4: {  	v18 =	vmul.f32 v10, v0;
	vm0 =	vge.f32 v5, v38;
	v27 =	vcvt.f32.s32 v32  }
0xd5: {  	v32 =	vsel vm0, v35, v38;
	v34 =	vmul.f32 v7, v0;
	v21 =	vsel vm0, v38, v44;
	v42 =	vpop (erf)  }
.Ltmp3:
0xd6: {  	v40 =	vmul.f32 $1.000000050e-03, v40;
	v18 =	vtrunc.f32 v18;
	v36 =	vsel vm0, $0x1, v1;
	v19 =	vld.idx.msk [tilespmem:v17+s15+$0x0], $0xffff;
	(pc) =	sbr.rel @p1 .LBB2_9-.Ltmp3, $4  }
0xd7: {  	v18 =	vcvt.f32.s32 v18;
	v37 =	vsub.f32 v32, v21;
	v32 =	vtrunc.f32 v34;
	v33 =	vld.idx.msk [tilespmem:v20+s17+$0x0], $0xffff  }
0xd8: {  	v38 =	vadd.s32 v36, v41;
	v36 =	vsub.f32 v40, v22;
	v40 =	vmul.f32 v42, v14;
	v35 =	vld.idx.msk [tilespmem:v20+s16+$0x0], $0xffff  }
0xd9: {  	v21 =	vsub.f32 v5, v21;
	vm3 =	vlt.s32 v27, $0x3E7;
	v5 =	vmovc v24;
	vm2 =	vge.f32 v15, v29;
	v34 =	vld.idx.msk [tilespmem:v45+s13+$0x0], $0xffff  }
0xda: {  	s4 =	sadd.s32 $0x40, s4;
	vm4 =	vge.f32 v9, v25;
	vm0 =	vlt.s32 v18, $0x3E7;
	v14 =	vmovc v43;
	v24 =	vmul.f32 v39, v40  }
0xdb: {  	v39 =	vsel vm4, $0x1, v1  }
0xdc: {  	v38 =	vcvt.s32.f32 v38;
	(erf) = vrcp.f32 v37;
	v31 =	vsel vm4, v25, v31  }
0xdd: {  	v50 =	vsel vm4, v30, v25;
	v27 =	vnsel vm3, $0x3E7, v27;
	v28 =	vmul.f32 v36, v28  }
0xde: {  	v32 =	vcvt.f32.s32 v32;
	vm14 =	vge.f32 v8, v19;
	v16 =	vcvt.s32.f32 v16  }
0xdf: {  	v51 =	vld.idx.msk [tilespmem:v17+s16+$0x0], $0xffff;
	v58 =	vsel vm2, $0x1, v1;
	v25 =	vsub.f32 v50, v31;
	v24 =	vadd.f32 v24, v26  }
0xe0: {  	v6 =	vld.idx.msk [tilespmem:v6+s17+$0x0], $0xffff;
	v53 =	vsel vm2, v33, v29;
	v60 =	vsel vm14, $0x1, v1;
	v9 =	vsub.f32 v9, v31  }
0xe1: {  	v20 =	vld.idx.msk [tilespmem:v20+s13+$0x0], $0xffff;
	vm8 =	vmmov vm14;
	v52 =	vsel vm2, v29, v35;
	v54 =	vadd.f32 $1.000000000e+00, v38  }
0xe2: {  	v23 =	vld.idx.msk [tilespmem:v23+s12+$0x0], $0xffff;
	v22 =	vadd.f32 v28, v22;
	v28 =	vmul.f32 $1.000000050e-03, v38;
	vm15 =	vlt.s32 v32, $0x3E7  }
0xe3: {  	v56 =	vld.idx.msk [tilespmem:v17+s13+$0x0], $0xffff;
	v41 =	vadd.f32 $1.000000000e+00, v16;
	v16 =	vmul.f32 $1.000000050e-03, v16;
	(erf) = vrcp.f32 v25  }
0xe4: {  	v40 =	vld.idx.msk [tilespmem:v12+s15+$0x0], $0xffff;
	v55 =	vmul.f32 v24, v0;
	v34 =	vadd.s32 v39, v34;
	v29 =	vsub.f32 v53, v52  }
0xe5: {  	v47 =	vld.idx.msk [tilespmem:v17+s17+$0x0], $0xffff;
	v15 =	vsub.f32 v15, v52;
	v25 =	vmul.f32 $1.000000050e-03, v54;
	v59 =	vcvt.s32.f32 v34  }
0xe6: {  	v53 =	vnsel vm0, $0x3E7, v18;
	v35 =	vmul.f32 $1.000000050e-03, v41;
	v48 =	vmul.f32 v22, v0  }
0xe7: {  	v62 =	vld.idx.msk [tilespmem:v12+s17+$0x0], $0xffff;
	v33 =	vtrunc.f32 v55;
	v30 =	vsel vm14, v19, v51;
	(erf) = vrcp.f32 v29  }
0xe8: {  	v29 =	vnsel vm15, $0x3E7, v32;
	v6 =	vsel vm1, v6, v11;
	v11 =	vmul.f32 v23, v0  }
0xe9: {  	v34 =	vadd.s32 v60, v56;
	v20 =	vadd.s32 v58, v20;
	vm7 =	vge.f32 v5, v40  }
0xea: {  	v42 =	vld.idx.msk [tilespmem:v12+s16+$0x0], $0xffff;
	v52 =	vsel vm8, v47, v19;
	v33 =	vcvt.f32.s32 v33;
	v25 =	vsub.f32 v25, v28  }
0xeb: {  	v61 =	vadd.f32 $1.000000000e+00, v59;
	v6 =	vsub.f32 v6, v13;
	v63 =	vmul.f32 $1.000000050e-03, v59  }
0xec: {  	v57 =	vld.idx.msk [tilespmem:v27+s12+$0x0], $0xffff;
	v20 =	vcvt.s32.f32 v20;
	v46 =	vsub.f32 v8, v30;
	v13 =	vsel vm7, v62, v40  }
0xed: {  	v51 =	vtrunc.f32 v48;
	v54 =	vsub.f32 v35, v16;
	v34 =	vcvt.s32.f32 v34  }
0xee: {  	v50 =	vld.idx.msk [tilespmem:v12+s13+$0x0], $0xffff;
	v60 =	vcvt.f32.s32 v51;
	vm6 =	vlt.s32 v33, $0x3E7;
	(erf) = vrcp.f32 v6  }
0xef: {  	v23 =	vmul.f32 $1.000000050e-03, v61;
	v45 =	vadd.f32 $1.000000000e+00, v20;
	v6 =	vsel vm7, v40, v42  }
0xf0: {  	v20 =	vmul.f32 $1.000000050e-03, v20;
	v37 =	vadd.f32 $1.000000000e+00, v34;
	v43 =	vpop (erf);
	v13 =	vsub.f32 v13, v6  }
0xf1: {  	v33 =	vnsel vm6, $0x3E7, v33;
	v26 =	vmul.f32 v57, v0;
	v21 =	vmul.f32 v43, v21  }
0xf2: {  	v57 =	vsel vm7, $0x1, v1;
	v58 =	vmul.f32 $1.000000050e-03, v45;
	v38 =	vld.idx.msk [tilespmem:v29+s12+$0x0], $0xffff;
	(erf) = vrcp.f32 v13  }
0xf3: {  	v13 =	vsub.f32 v52, v30;
	v12 =	vadd.s32 v57, v50;
	v44 =	vpop (erf);
	v21 =	vmul.f32 v25, v21  }
0xf4: {  	v23 =	vsub.f32 v23, v63;
	v12 =	vcvt.s32.f32 v12;
	v9 =	vmul.f32 v44, v9  }
0xf5: {  	v27 =	vmul.f32 $1.000000050e-03, v37;
	(erf) = vrcp.f32 v13;
	v21 =	vadd.f32 v21, v28  }
0xf6: {  	[tilespmem:s11+$0xFFFFFFE0] =	vst v11;
	v49 =	vpop (erf);
	v32 =	vadd.f32 $1.000000000e+00, v12;
	v12 =	vmul.f32 $1.000000050e-03, v12;
	v9 =	vmul.f32 v23, v9  }
0xf7: {  	[tilespmem:s7+$0xFFFFFFE0] =	vst v3;
	v61 =	vsub.f32 v58, v20;
	v15 =	vmul.f32 v49, v15;
	v3 =	vmul.f32 v38, v0;
	v55 =	vpop (erf)  }
0xf8: {  	v62 =	vsub.f32 v5, v6;
	v59 =	vmul.f32 v21, v0;
	v14 =	vmul.f32 v55, v14  }
0xf9: {  	v9 =	vadd.f32 v9, v63;
	v31 =	vmul.f32 v61, v15;
	v15 =	vmul.f32 $1.000000050e-03, v32  }
0xfa: {  	vm9 =	vlt.s32 v60, $0x3E7;
	v13 =	vtrunc.f32 v59;
	v14 =	vmul.f32 v54, v14  }
0xfb: {  	v18 =	vnsel vm9, $0x3E7, v60;
	v56 =	vmul.f32 v9, v0;
	v13 =	vcvt.f32.s32 v13;
	v36 =	vpop (erf)  }
0xfc: {  	v15 =	vsub.f32 v15, v12;
	v5 =	vmul.f32 v36, v62;
	v63 =	vadd.f32 v14, v16  }
0xfd: {  	v42 =	vtrunc.f32 v56;
	v16 =	vmul.f32 $1.000000050e-03, v34;
	v14 =	vadd.f32 v31, v20  }
0xfe: {  	vm10 =	vlt.s32 v13, $0x3E7;
	v39 =	vpop (erf);
	v5 =	vmul.f32 v15, v5;
	v35 =	vmul.f32 v63, v0  }
0xff: {  	v45 =	vld.idx.msk [tilespmem:v53+s12+$0x0], $0xffff;
	v8 =	vmul.f32 v39, v46;
	v41 =	vsub.f32 v27, v16;
	v43 =	vmul.f32 v14, v0  }
0x100: {  	v44 =	vcvt.f32.s32 v42;
	v5 =	vadd.f32 v5, v12;
	v19 =	vtrunc.f32 v35  }
0x101: {  	v13 =	vnsel vm10, $0x3E7, v13;
	v8 =	vmul.f32 v41, v8;
	v11 =	vtrunc.f32 v43  }
0x102: {  	v40 =	vld.idx.msk [tilespmem:v33+s12+$0x0], $0xffff;
	vm12 =	vlt.s32 v44, $0x3E7;
	v19 =	vcvt.f32.s32 v19;
	v47 =	vmul.f32 v5, v0  }
0x103: {  	[tilespmem:s11+$0x0] =	vst v3;
	v3 =	vnsel vm12, $0x3E7, v44;
	v11 =	vcvt.f32.s32 v11;
	v8 =	vadd.f32 v8, v16  }
0x104: {  	[tilespmem:s11+$0x10] =	vst v26;
	v49 =	vld.idx.msk [tilespmem:v18+s12+$0x0], $0xffff;
	v53 =	vmul.f32 v45, v0;
	vm11 =	vlt.s32 v19, $0x3E7;
	v50 =	vtrunc.f32 v47  }
0x105: {  	[tilespmem:s7+$0x10] =	vst v4;
	vm13 =	vlt.s32 v11, $0x3E7;
	v46 =	vnsel vm11, $0x3E7, v19;
	v51 =	vmul.f32 v8, v0  }
0x106: {  	[tilespmem:s10+$0xFFFFFFE0] =	vst v53;
	v52 =	vld.idx.msk [tilespmem:v13+s12+$0x0], $0xffff;
	v12 =	vcvt.f32.s32 v50;
	v11 =	vnsel vm13, $0x3E7, v11  }
0x107: {  	[tilespmem:s7+$0x0] =	vst v7;
	v48 =	vmul.f32 v40, v0;
	v54 =	vtrunc.f32 v51  }
0x108: {  	[tilespmem:s9+$0xFFFFFFE0] =	vst v10;
	v3 =	vld.idx.msk [tilespmem:v3+s12+$0x0], $0xffff;
	vm14 =	vlt.s32 v12, $0x3E7;
	v13 =	vcvt.f32.s32 v54  }
0x109: {  	[tilespmem:s11+$0xFFFFFFF0] =	vst v48;
	v56 =	vmul.f32 v49, v0;
	v12 =	vnsel vm14, $0x3E7, v12  }
0x10a: {  	[tilespmem:s7+$0xFFFFFFF0] =	vst v24;
	v55 =	vld.idx.msk [tilespmem:v46+s12+$0x0], $0xffff;
	vm15 =	vlt.s32 v13, $0x3E7  }
0x10b: {  	[tilespmem:s10+$0x10] =	vst v56;
	v57 =	vmul.f32 v52, v0;
	v59 =	vld.idx.msk [tilespmem:v11+s12+$0x0], $0xffff;
	v58 =	vnsel vm15, $0x3E7, v13  }
0x10c: {  	[tilespmem:s9+$0x10] =	vst v22  }
0x10d: {  	[tilespmem:s10+$0x0] =	vst v57;
	v3 =	vmul.f32 v3, v0  }
0x10e: {  	s1 =	sadd.s32 $0x40, s1;
	[tilespmem:s9+$0x0] =	vst v21;
	v61 =	vld.idx.msk [tilespmem:v12+s12+$0x0], $0xffff  }
0x10f: {  	s3 =	sadd.s32 $0x40, s14;
	[tilespmem:s1+$0xFFFFFFE0] =	vst v3;
	v60 =	vmul.f32 v55, v0  }
0x110: {  	[tilespmem:s3+$0xFFFFFFE0] =	vst v9;
	v3 =	vmul.f32 v59, v0;
	v62 =	vld.idx.msk [tilespmem:v58+s12+$0x0], $0xffff  }
0x111: {  	[tilespmem:s10+$0xFFFFFFF0] =	vst v60  }
0x112: {  	[tilespmem:s1+$0x10] =	vst v3  }
0x113: {  	[tilespmem:s9+$0xFFFFFFF0] =	vst v63;
	v3 =	vmul.f32 v61, v0  }
0x114: {  	[tilespmem:s3+$0x10] =	vst v14  }
0x115: {  	[tilespmem:s1+$0x0] =	vst v3;
	v63 =	vmul.f32 v62, v0  }
0x116: {  	[tilespmem:s3+$0x0] =	vst v5  }
0x117: {  	p1 =	seq.s32 s25, $0x1F;
	[tilespmem:s1+$0xFFFFFFF0] =	vst v63  }
0x118: {  	p2 =	seq.s32 @!p1 s26, s20;
	[tilespmem:s3+$0xFFFFFFF0] =	vst v8  }
0x119: {  	p1 =	por p1, !p2;
	s1 =	simm.s32 $0x0;
	_ =	strace $0x9000004B  }
0x11a: {  	s1 =	sshll.u32 @p1 s31, $0xA;
	_ =	strace @p1 $0x8000004C  }
0x11b: {  	s1 =	sand.u32 @p1 $0x1FFFFC00, s1;
	s4 =	rddreg @p1 [dreg:$0x2]  }
0x11c: {  	s3 =	sadd.s32 @p1 $0x3, s30;
	s4 =	sadd.s32 @p1 s4, s1  }
0x11d: {  	[hbm4b:s4+s5] =	stream.linear.scatter @p1 [tilespmem:s0], [sflag:s3], $0x2000, $0x200038;
	[tilespmem:$0x14800] =	vst v63  }
0x11e: {  	_ =	strace @p1 $0x9000004C  }
0x11f: {  	_ =	strace @p1 $0x8000004D  }
0x120: {  	s3 =	rddreg @p1 [dreg:$0x3]  }
0x121: {  	s23 =	sadd.s32 @p1 $0x1, s23;
	s0 =	sadd.s32 @p1 $0x5, s29;
	s1 =	sadd.s32 @p1 s3, s1  }
0x122: {  	[hbm4b:s1+s5] =	stream.linear.scatter @p1 [tilespmem:s6], [sflag:s0], $0x2000, $0x200038;
	[tilespmem:$0x14800] =	vst v63  }
0x123: {  	s1 =	simm.s32 @p1 $0x1;
	_ =	strace @p1 $0x9000004D;
	p1 =	seq.s32 s25, $0x0  }
0x124: {  	s0 =	sand.u32 @!p1 $0x1, s28  }
0x125: {  	_ =	strace @!p1 $0x8000004E;
	s0 =	sadd.s32 @!p1 $0x3, s0  }
0x126: {  	_ =	swait.ge @!p1 [sflag:s0], $0x2000  }
0x127: {  	s3 =	simm.s32 $0x1;
	[sflag:s0] =	ssyncset.done @!p1 $0x0  }
0x128: {  	s3 =	simm.s32 @!p0 $0x0;
	[sflag:s0] =	ssyncadd.s32 @!p1 $0xFFFFE000  }
0x129: {  	s25 =	sadd.s32 $0x1, s25;
	s0 =	sand.u32 @!p1 $0x1, s19;
	_ =	strace @!p1 $0x9000004E  }
0x12a: {  	p0 =	sne.s32 s25, $0x20;
	s0 =	sadd.s32 @!p1 $0x5, s0;
	_ =	strace @!p1 $0x8000004F  }
.Ltmp4:
0x12b: {  	_ =	swait.ge @!p1 [sflag:s0], $0x2000;
	(pc) =	sbr.rel @p0 .LBB2_8-.Ltmp4, $4  }
0x12c: {  	s21 =	sadd.s32 s3, s21;
	[sflag:s0] =	ssyncset.done @!p1 $0x0  }
0x12d: {  	s22 =	sadd.s32 s22, s1;
	[sflag:s0] =	ssyncadd.s32 @!p1 $0xFFFFE000;
	s0 =	simm.s32 @!p1 $0x1  }
0x12e: {  	s24 =	sadd.s32 s24, s1;
	s6 =	sadd.s32 @!p1 $0x1, s28;
	s0 =	simm.s32 @p1 $0x0  }
0x12f: {  	s6 =	smov.u32 @p1 s28;
	_ =	strace @!p1 $0x9000004F;
	s19 =	sadd.s32 s19, s0  }
0x130: {  	s0 =	sand.u32 $0x1, s6  }
0x131: {  	_ =	strace $0x80000050;
	s0 =	sadd.s32 $0x3, s0  }
0x132: {  	_ =	swait.ge [sflag:s0], $0x2000  }
0x133: {  	s1 =	sand.u32 $0x1, s19;
	[sflag:s0] =	ssyncset.done $0x0  }
0x134: {  	s30 =	sadd.s32 $0x5, s1;
	[sflag:s0] =	ssyncadd.s32 $0xFFFFE000  }
0x135: {  	_ =	swait.ge [sflag:s30], $0x2000  }
0x136: {  	s18 =	sadd.s32 $0x1, s18;
	s31 =	rddreg [dreg:$0x7]  }
0x137: {  	p0 =	sne.s32 s18, s31  }
.Ltmp5:
0x138: {  	_ = 	snop;
	(pc) =	sbr.rel @p0 .LBB2_1-.Ltmp5, $4  }
0x139: {  	_ = 	snop  }
0x13a: {  	[sflag:s30] =	ssyncset.done $0x0  }
0x13b: {  	[sflag:s30] =	ssyncadd.s32 $0xFFFFE000  }
0x13c: {  	_ =	strace $0x90000050  }
0x13d: {  	_ =	sfence.sel $0x180000  }
0x13e: {  	[bflag:$0x0] =	sbarrier.arrive $0xFFFF  }
0x13f: {  	_ =	strace $0x90000047  }
0x140: {  	s0 =	stileid.u32;
	[bflag:$0x2] =	sbarrier.arrive $0xFFFF  }
0x141: {  	p0 =	sne.s32 s0, $0x0;
	s0 =	rddreg [dreg:$0x4]  }
0x142: {  	s0 =	sadd.s32 @!p0 $0x100000, s0  }
0x143: {  	[sflag:s0] =	ssyncadd.tile.s32 @!p0 $0x1;
	_ =	shalt  }
.Lfunc_end2:
_tile_overlayer_lowered:
.L_overlay_start_2:
0x144: {  	(tag) =	ssettag $0x2  }
0x145: {  	s0 =	rddreg [dreg:$0x0];
	s2 =	stileid.u32  }
0x146: {  	s1 =	rddreg [dreg:$0x1];
	p0 =	sne.s32 s2, $0x0  }
0x147: {  	s3 =	rddreg [dreg:$0x2];
	[bflag:$0x3] =	sbarrier.arrive $0xFFFF;
	s2 =	simm.s32 @!p0 $0x1C01  }
0x148: {  	[timem:s3], [sflag:s2] =	dma.local @!p0 [hbm:s0], s1  }
0x149: {  	s0 =	simm.s32 @!p0 $0x1  }
0x14a: {  	_ =	swait.ge @!p0 [sflag:s0], s1  }
0x14b: {  	s1 =	ssub.s32 @!p0 $0x0, s1;
	[sflag:s0] =	ssyncset.done @!p0 $0x0  }
0x14c: {  	[sflag:s0] =	ssyncadd.s32 @!p0 s1  }
0x14d: {  	[bflag:$0x3] =	sbarrier.arrive $0xFFFF  }
0x14e: {  	_ =	shalt  }

</sc_bundles>
